<compile_context>
chip_gen: v7x
topology: tpu7x:2x2x1
jax: 0.10.2.dev20260603
libtpu: 0.0.44.dev20260713+nightly
codegen_flags: <defaults>
</compile_context>

<pallas_src>
import functools
import math

import jax
import jax.numpy as jnp
from jax import lax
from jax.experimental import pallas as pl
from jax.experimental.pallas import tpu as pltpu
from jax.experimental.pallas import tpu_sc as plsc

D = 64
CHUNK = 128
NC = 2
NS = 16
NW = NC * NS
EPS = 1e-5 / 64.0


def _xlane_sum(v):
    lanes = lax.iota(jnp.int32, 16)
    dn = lax.GatherDimensionNumbers(
        offset_dims=(), collapsed_slice_dims=(0,), start_index_map=(0,))
    for shift in (8, 4, 2, 1):
        idx = (lanes + shift) & 15
        rot = lax.gather(v, idx[:, None], dn, (1,),
                         mode=lax.GatherScatterMode.PROMISE_IN_BOUNDS)
        v = v + rot
    return v


def _rsqrt(x):
    i = lax.bitcast_convert_type(x, jnp.int32)
    y = lax.bitcast_convert_type(jnp.int32(0x5F3759DF) - (i >> 1), jnp.float32)
    for _ in range(3):
        y = y * (1.5 - 0.5 * x * y * y)
    return y


def _embed_ln(idx_flat, pid_flat, item_table, pos_table, ln_weight, ln_bias):
    b = idx_flat.shape[0]
    per_w = b // NW
    n_chunks = per_w // CHUNK
    mesh = plsc.VectorSubcoreMesh(core_axis_name="c", subcore_axis_name="s")

    @functools.partial(
        pl.kernel,
        out_type=jax.ShapeDtypeStruct((b, D), jnp.float32),
        mesh=mesh,
        compiler_params=pltpu.CompilerParams(use_tc_tiling_on_sc=False),
        scratch_types=[
            pltpu.VMEM((CHUNK,), jnp.int32),
            pltpu.VMEM((CHUNK,), jnp.int32),
            pltpu.VMEM((CHUNK, D), jnp.float32),
            pltpu.VMEM((CHUNK, D), jnp.float32),
            pltpu.VMEM((D,), jnp.float32),
            pltpu.VMEM((D,), jnp.float32),
            pltpu.SemaphoreType.DMA,
            pltpu.SemaphoreType.DMA,
        ],
    )
    def k(idx_hbm, pid_hbm, item_hbm, pos_hbm, w_hbm, b_hbm, out_hbm,
          idx_v, pid_v, item_v, pos_v, w_v, b_v, sem_a, sem_b):
        wid = lax.axis_index("s") * NC + lax.axis_index("c")
        base_w = wid * per_w
        pltpu.sync_copy(w_hbm, w_v)
        pltpu.sync_copy(b_hbm, b_v)
        w_regs = [w_v[pl.ds(16 * j, 16)] for j in range(4)]
        b_regs = [b_v[pl.ds(16 * j, 16)] for j in range(4)]

        def chunk_body(g, carry):
            base = base_w + g * CHUNK
            pltpu.sync_copy(idx_hbm.at[pl.ds(base, CHUNK)], idx_v)
            pltpu.sync_copy(pid_hbm.at[pl.ds(base, CHUNK)], pid_v)
            cp_item = pltpu.async_copy(item_hbm.at[idx_v], item_v, sem_a)
            cp_pos = pltpu.async_copy(pos_hbm.at[pid_v], pos_v, sem_b)
            cp_item.wait()
            cp_pos.wait()

            def row_body(r, rcarry):
                xs = []
                for j in range(4):
                    it = item_v[r, pl.ds(16 * j, 16)]
                    po = pos_v[r, pl.ds(16 * j, 16)]
                    xs.append(it + po * 0.125)
                s = (xs[0] + xs[1]) + (xs[2] + xs[3])
                sq = (xs[0] * xs[0] + xs[1] * xs[1]) + (
                    xs[2] * xs[2] + xs[3] * xs[3])
                mean = _xlane_sum(s) * (1.0 / D)
                var = _xlane_sum(sq) * (1.0 / D) - mean * mean
                a = _rsqrt(jnp.maximum(var, 0.0) + EPS)
                for j in range(4):
                    item_v[r, pl.ds(16 * j, 16)] = (
                        (xs[j] - mean) * a * w_regs[j] + b_regs[j])
                return rcarry

            lax.fori_loop(0, CHUNK, row_body, 0)
            pltpu.sync_copy(item_v, out_hbm.at[pl.ds(base, CHUNK)])
            return carry

        lax.fori_loop(0, n_chunks, chunk_body, 0)

    return k(idx_flat, pid_flat, item_table, pos_table, ln_weight, ln_bias)


def kernel(input_sequence, position_ids, item_table, pos_table, ln_weight, ln_bias):
    seq, batch = input_sequence.shape
    out = _embed_ln(
        input_sequence.reshape(-1),
        position_ids.reshape(-1),
        item_table,
        pos_table,
        ln_weight,
        ln_bias,
    )
    return out.reshape(seq, batch, D)

# --- scband reference (transcript-rebuilt; emitter-appended) ---
"""Pipeline reference for scband-transformer-embedding-11905649344545 (READ-ONLY COPY).

The authoritative reference and input builder live on the scoring server;
editing this copy changes nothing except your own understanding.
"""

import math
import jax, jax.numpy as jnp
import numpy as np

VOC = 1000000
MAX_SEQ = 200
DIM = 64
SEQ = 200
BATCH = 4096


def setup_inputs(seed: int = 0) -> dict:
    key = jax.random.key(seed)
    k1, k2, k3, k4 = jax.random.split(key, 4)
    input_sequence = jax.random.randint(k1, (SEQ, BATCH), 0, VOC, dtype=jnp.int32)
    position_ids = jax.random.randint(k2, (SEQ, BATCH), 0, MAX_SEQ, dtype=jnp.int32)
    # item embedding: uniform(-0.1, 0.1) per init_weights()
    item_table = jax.random.uniform(k3, (VOC, DIM), dtype=jnp.float32, minval=-0.1, maxval=0.1)
    # position embedding: default nn.Embedding init N(0, 1)
    pos_table = jax.random.normal(k4, (MAX_SEQ, DIM), dtype=jnp.float32)
    ln_weight = jnp.ones((DIM,), dtype=jnp.float32)
    ln_bias = jnp.zeros((DIM,), dtype=jnp.float32)
    return {
        "input_sequence": input_sequence,
        "position_ids": position_ids,
        "item_table": item_table,
        "pos_table": pos_table,
        "ln_weight": ln_weight,
        "ln_bias": ln_bias,
    }


def _layer_norm(x, w, b, eps=1e-5):
    mean = jnp.mean(x, axis=-1, keepdims=True)
    var = jnp.mean((x - mean) ** 2, axis=-1, keepdims=True)
    return (x - mean) / jnp.sqrt(var + eps) * w + b


def reference(input_sequence, position_ids, item_table, pos_table, ln_weight, ln_bias):
    # gather item embeddings and scale by sqrt(embedding_size)
    x = jnp.take(item_table, input_sequence, axis=0) * math.sqrt(DIM)
    # add positional embeddings
    x = x + jnp.take(pos_table, position_ids, axis=0)
    # layer norm (dropout is identity in eval mode)
    x = _layer_norm(x, ln_weight, ln_bias)
    return x

if __name__ == "__main__":
    import jax
    _d = setup_inputs()
    print(jax.jit(kernel)(*tuple(_d.values())))

</pallas_src>

<mosaic_0001>
#map = affine_map<(d0, d1) -> (0)>
#map1 = affine_map<(d0, d1) -> (0, 0)>
module attributes {stable_mosaic.version = 14 : i64} {
  func.func @k(%arg0: i32, %arg1: i32, %arg2: memref<819200xi32, #tpu.memory_space<hbm>>, %arg3: memref<819200xi32, #tpu.memory_space<hbm>>, %arg4: memref<1000000x64xf32, #tpu.memory_space<hbm>>, %arg5: memref<200x64xf32, #tpu.memory_space<hbm>>, %arg6: memref<64xf32, #tpu.memory_space<hbm>>, %arg7: memref<64xf32, #tpu.memory_space<hbm>>, %arg8: memref<819200x64xf32, #tpu.memory_space<hbm>>, %arg9: memref<128xi32, #tpu.memory_space<vmem>>, %arg10: memref<128xi32, #tpu.memory_space<vmem>>, %arg11: memref<128x64xf32, #tpu.memory_space<vmem>>, %arg12: memref<128x64xf32, #tpu.memory_space<vmem>>, %arg13: memref<64xf32, #tpu.memory_space<vmem>>, %arg14: memref<64xf32, #tpu.memory_space<vmem>>, %arg15: memref<!tpu.dma_semaphore, #tpu.memory_space<semaphore_mem>>, %arg16: memref<!tpu.dma_semaphore, #tpu.memory_space<semaphore_mem>>) attributes {dimension_semantics = [#tpu.dimension_semantics<core_parallel>, #tpu.dimension_semantics<subcore_parallel>], iteration_bounds = array<i64: 2, 16>, scalar_prefetch = 0 : i64, scratch_operands = 8 : i64, tpu.core_type = #tpu.core_type<sc_vector_subcore>, window_params = [{transform_indices = #map}, {transform_indices = #map}, {transform_indices = #map1}, {transform_indices = #map1}, {transform_indices = #map}, {transform_indices = #map}, {transform_indices = #map1}]} {
    %mul3A = arith.constant 2 : i32
    %mul3A_0 = arith.muli %arg1, %mul3A : i32
    %add3A = arith.addi %mul3A_0, %arg0 : i32
    %mul3A_1 = arith.constant 25600 : i32
    %mul3A_2 = arith.muli %add3A, %mul3A_1 : i32
    "tpu.region"() ({
      %run_scoped3A = tpu.sem_alloc : memref<!tpu.dma_semaphore, #tpu.memory_space<semaphore_mem>>
      tpu.enqueue_dma source(%arg6 : memref<64xf32, #tpu.memory_space<hbm>>) target(%arg13 : memref<64xf32, #tpu.memory_space<vmem>>) target_semaphore(%run_scoped3A : memref<!tpu.dma_semaphore, #tpu.memory_space<semaphore_mem>>)
      tpu.wait_dma2 semaphore(%run_scoped3A : memref<!tpu.dma_semaphore, #tpu.memory_space<semaphore_mem>>) src(%arg6 : memref<64xf32, #tpu.memory_space<hbm>>) dst(%arg13 : memref<64xf32, #tpu.memory_space<vmem>>)
      tpu.yield
    }) : () -> ()
    "tpu.region"() ({
      %run_scoped3A = tpu.sem_alloc : memref<!tpu.dma_semaphore, #tpu.memory_space<semaphore_mem>>
      tpu.enqueue_dma source(%arg7 : memref<64xf32, #tpu.memory_space<hbm>>) target(%arg14 : memref<64xf32, #tpu.memory_space<vmem>>) target_semaphore(%run_scoped3A : memref<!tpu.dma_semaphore, #tpu.memory_space<semaphore_mem>>)
      tpu.wait_dma2 semaphore(%run_scoped3A : memref<!tpu.dma_semaphore, #tpu.memory_space<semaphore_mem>>) src(%arg7 : memref<64xf32, #tpu.memory_space<hbm>>) dst(%arg14 : memref<64xf32, #tpu.memory_space<vmem>>)
      tpu.yield
    }) : () -> ()
    %get3A = arith.constant 0 : index
    %get3A_3 = tpu.vector_load %arg13[%get3A] {strides = array<i32>} : memref<64xf32, #tpu.memory_space<vmem>>, vector<16xf32>,
    %get3A_4 = vector.shape_cast %get3A_3 : vector<16xf32> to vector<16xf32>
    %get3A_5 = arith.constant 16 : index
    %get3A_6 = tpu.vector_load %arg13[%get3A_5] {strides = array<i32>} : memref<64xf32, #tpu.memory_space<vmem>>, vector<16xf32>,
    %get3A_7 = vector.shape_cast %get3A_6 : vector<16xf32> to vector<16xf32>
    %get3A_8 = arith.constant 32 : index
    %get3A_9 = tpu.vector_load %arg13[%get3A_8] {strides = array<i32>} : memref<64xf32, #tpu.memory_space<vmem>>, vector<16xf32>,
    %get3A_10 = vector.shape_cast %get3A_9 : vector<16xf32> to vector<16xf32>
    %get3A_11 = arith.constant 48 : index
    %get3A_12 = tpu.vector_load %arg13[%get3A_11] {strides = array<i32>} : memref<64xf32, #tpu.memory_space<vmem>>, vector<16xf32>,
    %get3A_13 = vector.shape_cast %get3A_12 : vector<16xf32> to vector<16xf32>
    %get3A_14 = arith.constant 0 : index
    %get3A_15 = tpu.vector_load %arg14[%get3A_14] {strides = array<i32>} : memref<64xf32, #tpu.memory_space<vmem>>, vector<16xf32>,
    %get3A_16 = vector.shape_cast %get3A_15 : vector<16xf32> to vector<16xf32>
    %get3A_17 = arith.constant 16 : index
    %get3A_18 = tpu.vector_load %arg14[%get3A_17] {strides = array<i32>} : memref<64xf32, #tpu.memory_space<vmem>>, vector<16xf32>,
    %get3A_19 = vector.shape_cast %get3A_18 : vector<16xf32> to vector<16xf32>
    %get3A_20 = arith.constant 32 : index
    %get3A_21 = tpu.vector_load %arg14[%get3A_20] {strides = array<i32>} : memref<64xf32, #tpu.memory_space<vmem>>, vector<16xf32>,
    %get3A_22 = vector.shape_cast %get3A_21 : vector<16xf32> to vector<16xf32>
    %get3A_23 = arith.constant 48 : index
    %get3A_24 = tpu.vector_load %arg14[%get3A_23] {strides = array<i32>} : memref<64xf32, #tpu.memory_space<vmem>>, vector<16xf32>,
    %get3A_25 = vector.shape_cast %get3A_24 : vector<16xf32> to vector<16xf32>
    %scan3A = arith.constant 0 : i32
    %scan3A_26 = arith.constant 0 : i32
    %scan3A_27 = arith.constant 200 : i32
    %scan3A_28 = arith.addi %scan3A_26, %scan3A_27 : i32
    %scan3A_29 = arith.constant 1 : i32
    scf.for %scan3A_31 = %scan3A_26 to %scan3A_28 step %scan3A_29  : i32 {
      %mul3A_32 = arith.constant 128 : i32
      %mul3A_33 = arith.muli %scan3A_31, %mul3A_32 : i32
      %add3A_34 = arith.addi %mul3A_2, %mul3A_33 : i32
      "tpu.region"() ({
        %run_scoped3A = tpu.sem_alloc : memref<!tpu.dma_semaphore, #tpu.memory_space<semaphore_mem>>
        %dma_start3A_51 = tpu.memref_slice %arg2[%add3A_34] : memref<819200xi32, #tpu.memory_space<hbm>> -> memref<128xi32, #tpu.memory_space<hbm>>
        %dma_start3A_52 = tpu.memref_slice %arg2[%add3A_34] : memref<819200xi32, #tpu.memory_space<hbm>> -> memref<128xi32, #tpu.memory_space<hbm>>
        tpu.enqueue_dma source(%dma_start3A_52 : memref<128xi32, #tpu.memory_space<hbm>>) target(%arg9 : memref<128xi32, #tpu.memory_space<vmem>>) target_semaphore(%run_scoped3A : memref<!tpu.dma_semaphore, #tpu.memory_space<semaphore_mem>>)
        %dma_wait3A_53 = tpu.memref_slice %arg2[%add3A_34] : memref<819200xi32, #tpu.memory_space<hbm>> -> memref<128xi32, #tpu.memory_space<hbm>>
        %dma_wait3A_54 = tpu.memref_slice %arg2[%add3A_34] : memref<819200xi32, #tpu.memory_space<hbm>> -> memref<128xi32, #tpu.memory_space<hbm>>
        tpu.wait_dma2 semaphore(%run_scoped3A : memref<!tpu.dma_semaphore, #tpu.memory_space<semaphore_mem>>) src(%dma_wait3A_54 : memref<128xi32, #tpu.memory_space<hbm>>) dst(%arg9 : memref<128xi32, #tpu.memory_space<vmem>>)
        tpu.yield
      }) : () -> ()
      "tpu.region"() ({
        %run_scoped3A = tpu.sem_alloc : memref<!tpu.dma_semaphore, #tpu.memory_space<semaphore_mem>>
        %dma_start3A_51 = tpu.memref_slice %arg3[%add3A_34] : memref<819200xi32, #tpu.memory_space<hbm>> -> memref<128xi32, #tpu.memory_space<hbm>>
        %dma_start3A_52 = tpu.memref_slice %arg3[%add3A_34] : memref<819200xi32, #tpu.memory_space<hbm>> -> memref<128xi32, #tpu.memory_space<hbm>>
        tpu.enqueue_dma source(%dma_start3A_52 : memref<128xi32, #tpu.memory_space<hbm>>) target(%arg10 : memref<128xi32, #tpu.memory_space<vmem>>) target_semaphore(%run_scoped3A : memref<!tpu.dma_semaphore, #tpu.memory_space<semaphore_mem>>)
        %dma_wait3A_53 = tpu.memref_slice %arg3[%add3A_34] : memref<819200xi32, #tpu.memory_space<hbm>> -> memref<128xi32, #tpu.memory_space<hbm>>
        %dma_wait3A_54 = tpu.memref_slice %arg3[%add3A_34] : memref<819200xi32, #tpu.memory_space<hbm>> -> memref<128xi32, #tpu.memory_space<hbm>>
        tpu.wait_dma2 semaphore(%run_scoped3A : memref<!tpu.dma_semaphore, #tpu.memory_space<semaphore_mem>>) src(%dma_wait3A_54 : memref<128xi32, #tpu.memory_space<hbm>>) dst(%arg10 : memref<128xi32, #tpu.memory_space<vmem>>)
        tpu.yield
      }) : () -> ()
      %dma_start3A = arith.constant 0 : i32
      %dma_start3A_35 = arith.constant 0 : i32
      %dma_start3A_36 = tpu.memref_slice %arg4[%dma_start3A, %dma_start3A_35] : memref<1000000x64xf32, #tpu.memory_space<hbm>> -> memref<1000000x64xf32, #tpu.memory_space<hbm>>
      tpu.enqueue_indirect_dma source(%dma_start3A_36 : memref<1000000x64xf32, #tpu.memory_space<hbm>>) target(%arg11 : memref<128x64xf32, #tpu.memory_space<vmem>>) offsets(%arg9 : memref<128xi32, #tpu.memory_space<vmem>>) semaphore(%arg15 : memref<!tpu.dma_semaphore, #tpu.memory_space<semaphore_mem>>)
      %dma_start3A_37 = arith.constant 0 : i32
      %dma_start3A_38 = arith.constant 0 : i32
      %dma_start3A_39 = tpu.memref_slice %arg5[%dma_start3A_37, %dma_start3A_38] : memref<200x64xf32, #tpu.memory_space<hbm>> -> memref<200x64xf32, #tpu.memory_space<hbm>>
      tpu.enqueue_indirect_dma source(%dma_start3A_39 : memref<200x64xf32, #tpu.memory_space<hbm>>) target(%arg12 : memref<128x64xf32, #tpu.memory_space<vmem>>) offsets(%arg10 : memref<128xi32, #tpu.memory_space<vmem>>) semaphore(%arg16 : memref<!tpu.dma_semaphore, #tpu.memory_space<semaphore_mem>>)
      %dma_wait3A = arith.constant 0 : i32
      %dma_wait3A_40 = arith.constant 0 : i32
      %dma_wait3A_41 = tpu.memref_slice %arg4[%dma_wait3A, %dma_wait3A_40] : memref<1000000x64xf32, #tpu.memory_space<hbm>> -> memref<1000000x64xf32, #tpu.memory_space<hbm>>
      tpu.wait_indirect_dma semaphore(%arg15 : memref<!tpu.dma_semaphore, #tpu.memory_space<semaphore_mem>>) src(%dma_wait3A_41 : memref<1000000x64xf32, #tpu.memory_space<hbm>>) dst(%arg11 : memref<128x64xf32, #tpu.memory_space<vmem>>)
      %dma_wait3A_42 = arith.constant 0 : i32
      %dma_wait3A_43 = arith.constant 0 : i32
      %dma_wait3A_44 = tpu.memref_slice %arg5[%dma_wait3A_42, %dma_wait3A_43] : memref<200x64xf32, #tpu.memory_space<hbm>> -> memref<200x64xf32, #tpu.memory_space<hbm>>
      tpu.wait_indirect_dma semaphore(%arg16 : memref<!tpu.dma_semaphore, #tpu.memory_space<semaphore_mem>>) src(%dma_wait3A_44 : memref<200x64xf32, #tpu.memory_space<hbm>>) dst(%arg12 : memref<128x64xf32, #tpu.memory_space<vmem>>)
      %scan3A_45 = arith.constant 0 : i32
      %scan3A_46 = arith.constant 0 : i32
      %scan3A_47 = arith.constant 128 : i32
      %scan3A_48 = arith.addi %scan3A_46, %scan3A_47 : i32
      %scan3A_49 = arith.constant 1 : i32
      scf.for %scan3A_51 = %scan3A_46 to %scan3A_48 step %scan3A_49  : i32 {
        %get3A_52 = arith.index_cast %scan3A_51 : i32 to index
        %get3A_53 = arith.constant 0 : index
        %get3A_54 = tpu.vector_load %arg11[%get3A_52, %get3A_53] {strides = array<i32>} : memref<128x64xf32, #tpu.memory_space<vmem>>, vector<1x16xf32>,
        %get3A_55 = vector.shape_cast %get3A_54 : vector<1x16xf32> to vector<16xf32>
        %get3A_56 = arith.index_cast %scan3A_51 : i32 to index
        %get3A_57 = arith.constant 0 : index
        %get3A_58 = tpu.vector_load %arg12[%get3A_56, %get3A_57] {strides = array<i32>} : memref<128x64xf32, #tpu.memory_space<vmem>>, vector<1x16xf32>,
        %get3A_59 = vector.shape_cast %get3A_58 : vector<1x16xf32> to vector<16xf32>
        %mul3A_60 = arith.constant 1.250000e-01 : f32
        %mul3A_61 = vector.broadcast %mul3A_60 : f32 to vector<16xf32>
        %mul3A_62 = arith.mulf %get3A_59, %mul3A_61 : vector<16xf32>
        %add3A_63 = arith.addf %get3A_55, %mul3A_62 : vector<16xf32>
        %get3A_64 = arith.index_cast %scan3A_51 : i32 to index
        %get3A_65 = arith.constant 16 : index
        %get3A_66 = tpu.vector_load %arg11[%get3A_64, %get3A_65] {strides = array<i32>} : memref<128x64xf32, #tpu.memory_space<vmem>>, vector<1x16xf32>,
        %get3A_67 = vector.shape_cast %get3A_66 : vector<1x16xf32> to vector<16xf32>
        %get3A_68 = arith.index_cast %scan3A_51 : i32 to index
        %get3A_69 = arith.constant 16 : index
        %get3A_70 = tpu.vector_load %arg12[%get3A_68, %get3A_69] {strides = array<i32>} : memref<128x64xf32, #tpu.memory_space<vmem>>, vector<1x16xf32>,
        %get3A_71 = vector.shape_cast %get3A_70 : vector<1x16xf32> to vector<16xf32>
        %mul3A_72 = arith.constant 1.250000e-01 : f32
        %mul3A_73 = vector.broadcast %mul3A_72 : f32 to vector<16xf32>
        %mul3A_74 = arith.mulf %get3A_71, %mul3A_73 : vector<16xf32>
        %add3A_75 = arith.addf %get3A_67, %mul3A_74 : vector<16xf32>
        %get3A_76 = arith.index_cast %scan3A_51 : i32 to index
        %get3A_77 = arith.constant 32 : index
        %get3A_78 = tpu.vector_load %arg11[%get3A_76, %get3A_77] {strides = array<i32>} : memref<128x64xf32, #tpu.memory_space<vmem>>, vector<1x16xf32>,
        %get3A_79 = vector.shape_cast %get3A_78 : vector<1x16xf32> to vector<16xf32>
        %get3A_80 = arith.index_cast %scan3A_51 : i32 to index
        %get3A_81 = arith.constant 32 : index
        %get3A_82 = tpu.vector_load %arg12[%get3A_80, %get3A_81] {strides = array<i32>} : memref<128x64xf32, #tpu.memory_space<vmem>>, vector<1x16xf32>,
        %get3A_83 = vector.shape_cast %get3A_82 : vector<1x16xf32> to vector<16xf32>
        %mul3A_84 = arith.constant 1.250000e-01 : f32
        %mul3A_85 = vector.broadcast %mul3A_84 : f32 to vector<16xf32>
        %mul3A_86 = arith.mulf %get3A_83, %mul3A_85 : vector<16xf32>
        %add3A_87 = arith.addf %get3A_79, %mul3A_86 : vector<16xf32>
        %get3A_88 = arith.index_cast %scan3A_51 : i32 to index
        %get3A_89 = arith.constant 48 : index
        %get3A_90 = tpu.vector_load %arg11[%get3A_88, %get3A_89] {strides = array<i32>} : memref<128x64xf32, #tpu.memory_space<vmem>>, vector<1x16xf32>,
        %get3A_91 = vector.shape_cast %get3A_90 : vector<1x16xf32> to vector<16xf32>
        %get3A_92 = arith.index_cast %scan3A_51 : i32 to index
        %get3A_93 = arith.constant 48 : index
        %get3A_94 = tpu.vector_load %arg12[%get3A_92, %get3A_93] {strides = array<i32>} : memref<128x64xf32, #tpu.memory_space<vmem>>, vector<1x16xf32>,
        %get3A_95 = vector.shape_cast %get3A_94 : vector<1x16xf32> to vector<16xf32>
        %mul3A_96 = arith.constant 1.250000e-01 : f32
        %mul3A_97 = vector.broadcast %mul3A_96 : f32 to vector<16xf32>
        %mul3A_98 = arith.mulf %get3A_95, %mul3A_97 : vector<16xf32>
        %add3A_99 = arith.addf %get3A_91, %mul3A_98 : vector<16xf32>
        %add3A_100 = arith.addf %add3A_63, %add3A_75 : vector<16xf32>
        %add3A_101 = arith.addf %add3A_87, %add3A_99 : vector<16xf32>
        %add3A_102 = arith.addf %add3A_100, %add3A_101 : vector<16xf32>
        %mul3A_103 = arith.mulf %add3A_63, %add3A_63 : vector<16xf32>
        %mul3A_104 = arith.mulf %add3A_75, %add3A_75 : vector<16xf32>
        %add3A_105 = arith.addf %mul3A_103, %mul3A_104 : vector<16xf32>
        %mul3A_106 = arith.mulf %add3A_87, %add3A_87 : vector<16xf32>
        %mul3A_107 = arith.mulf %add3A_99, %add3A_99 : vector<16xf32>
        %add3A_108 = arith.addf %mul3A_106, %mul3A_107 : vector<16xf32>
        %add3A_109 = arith.addf %add3A_105, %add3A_108 : vector<16xf32>
        %iota3A = tpu.iota {dimensions = array<i32: 0>} : vector<16xi32>
        %add3A_110 = arith.constant 8 : i32
        %add3A_111 = vector.broadcast %add3A_110 : i32 to vector<16xi32>
        %add3A_112 = arith.addi %iota3A, %add3A_111 : vector<16xi32>
        %and3A = arith.constant 15 : i32
        %and3A_113 = vector.broadcast %and3A : i32 to vector<16xi32>
        %and3A_114 = arith.andi %add3A_112, %and3A_113 : vector<16xi32>
        %broadcast_in_dim3A = vector.shape_cast %and3A_114 : vector<16xi32> to vector<16x1xi32>
        %gather3A = vector.shape_cast %broadcast_in_dim3A : vector<16x1xi32> to vector<16xi32>
        %gather3A_115 = tpu.dynamic_gather %add3A_102[%gather3A] in [0] : vector<16xf32>, vector<16xi32> -> vector<16xf32>
        %add3A_116 = arith.addf %add3A_102, %gather3A_115 : vector<16xf32>
        %add3A_117 = arith.constant 4 : i32
        %add3A_118 = vector.broadcast %add3A_117 : i32 to vector<16xi32>
        %add3A_119 = arith.addi %iota3A, %add3A_118 : vector<16xi32>
        %and3A_120 = arith.constant 15 : i32
        %and3A_121 = vector.broadcast %and3A_120 : i32 to vector<16xi32>
        %and3A_122 = arith.andi %add3A_119, %and3A_121 : vector<16xi32>
        %broadcast_in_dim3A_123 = vector.shape_cast %and3A_122 : vector<16xi32> to vector<16x1xi32>
        %gather3A_124 = vector.shape_cast %broadcast_in_dim3A_123 : vector<16x1xi32> to vector<16xi32>
        %gather3A_125 = tpu.dynamic_gather %add3A_116[%gather3A_124] in [0] : vector<16xf32>, vector<16xi32> -> vector<16xf32>
        %add3A_126 = arith.addf %add3A_116, %gather3A_125 : vector<16xf32>
        %add3A_127 = arith.constant 2 : i32
        %add3A_128 = vector.broadcast %add3A_127 : i32 to vector<16xi32>
        %add3A_129 = arith.addi %iota3A, %add3A_128 : vector<16xi32>
        %and3A_130 = arith.constant 15 : i32
        %and3A_131 = vector.broadcast %and3A_130 : i32 to vector<16xi32>
        %and3A_132 = arith.andi %add3A_129, %and3A_131 : vector<16xi32>
        %broadcast_in_dim3A_133 = vector.shape_cast %and3A_132 : vector<16xi32> to vector<16x1xi32>
        %gather3A_134 = vector.shape_cast %broadcast_in_dim3A_133 : vector<16x1xi32> to vector<16xi32>
        %gather3A_135 = tpu.dynamic_gather %add3A_126[%gather3A_134] in [0] : vector<16xf32>, vector<16xi32> -> vector<16xf32>
        %add3A_136 = arith.addf %add3A_126, %gather3A_135 : vector<16xf32>
        %add3A_137 = arith.constant 1 : i32
        %add3A_138 = vector.broadcast %add3A_137 : i32 to vector<16xi32>
        %add3A_139 = arith.addi %iota3A, %add3A_138 : vector<16xi32>
        %and3A_140 = arith.constant 15 : i32
        %and3A_141 = vector.broadcast %and3A_140 : i32 to vector<16xi32>
        %and3A_142 = arith.andi %add3A_139, %and3A_141 : vector<16xi32>
        %broadcast_in_dim3A_143 = vector.shape_cast %and3A_142 : vector<16xi32> to vector<16x1xi32>
        %gather3A_144 = vector.shape_cast %broadcast_in_dim3A_143 : vector<16x1xi32> to vector<16xi32>
        %gather3A_145 = tpu.dynamic_gather %add3A_136[%gather3A_144] in [0] : vector<16xf32>, vector<16xi32> -> vector<16xf32>
        %add3A_146 = arith.addf %add3A_136, %gather3A_145 : vector<16xf32>
        %mul3A_147 = arith.constant 1.562500e-02 : f32
        %mul3A_148 = vector.broadcast %mul3A_147 : f32 to vector<16xf32>
        %mul3A_149 = arith.mulf %add3A_146, %mul3A_148 : vector<16xf32>
        %iota3A_150 = tpu.iota {dimensions = array<i32: 0>} : vector<16xi32>
        %add3A_151 = arith.constant 8 : i32
        %add3A_152 = vector.broadcast %add3A_151 : i32 to vector<16xi32>
        %add3A_153 = arith.addi %iota3A_150, %add3A_152 : vector<16xi32>
        %and3A_154 = arith.constant 15 : i32
        %and3A_155 = vector.broadcast %and3A_154 : i32 to vector<16xi32>
        %and3A_156 = arith.andi %add3A_153, %and3A_155 : vector<16xi32>
        %broadcast_in_dim3A_157 = vector.shape_cast %and3A_156 : vector<16xi32> to vector<16x1xi32>
        %gather3A_158 = vector.shape_cast %broadcast_in_dim3A_157 : vector<16x1xi32> to vector<16xi32>
        %gather3A_159 = tpu.dynamic_gather %add3A_109[%gather3A_158] in [0] : vector<16xf32>, vector<16xi32> -> vector<16xf32>
        %add3A_160 = arith.addf %add3A_109, %gather3A_159 : vector<16xf32>
        %add3A_161 = arith.constant 4 : i32
        %add3A_162 = vector.broadcast %add3A_161 : i32 to vector<16xi32>
        %add3A_163 = arith.addi %iota3A_150, %add3A_162 : vector<16xi32>
        %and3A_164 = arith.constant 15 : i32
        %and3A_165 = vector.broadcast %and3A_164 : i32 to vector<16xi32>
        %and3A_166 = arith.andi %add3A_163, %and3A_165 : vector<16xi32>
        %broadcast_in_dim3A_167 = vector.shape_cast %and3A_166 : vector<16xi32> to vector<16x1xi32>
        %gather3A_168 = vector.shape_cast %broadcast_in_dim3A_167 : vector<16x1xi32> to vector<16xi32>
        %gather3A_169 = tpu.dynamic_gather %add3A_160[%gather3A_168] in [0] : vector<16xf32>, vector<16xi32> -> vector<16xf32>
        %add3A_170 = arith.addf %add3A_160, %gather3A_169 : vector<16xf32>
        %add3A_171 = arith.constant 2 : i32
        %add3A_172 = vector.broadcast %add3A_171 : i32 to vector<16xi32>
        %add3A_173 = arith.addi %iota3A_150, %add3A_172 : vector<16xi32>
        %and3A_174 = arith.constant 15 : i32
        %and3A_175 = vector.broadcast %and3A_174 : i32 to vector<16xi32>
        %and3A_176 = arith.andi %add3A_173, %and3A_175 : vector<16xi32>
        %broadcast_in_dim3A_177 = vector.shape_cast %and3A_176 : vector<16xi32> to vector<16x1xi32>
        %gather3A_178 = vector.shape_cast %broadcast_in_dim3A_177 : vector<16x1xi32> to vector<16xi32>
        %gather3A_179 = tpu.dynamic_gather %add3A_170[%gather3A_178] in [0] : vector<16xf32>, vector<16xi32> -> vector<16xf32>
        %add3A_180 = arith.addf %add3A_170, %gather3A_179 : vector<16xf32>
        %add3A_181 = arith.constant 1 : i32
        %add3A_182 = vector.broadcast %add3A_181 : i32 to vector<16xi32>
        %add3A_183 = arith.addi %iota3A_150, %add3A_182 : vector<16xi32>
        %and3A_184 = arith.constant 15 : i32
        %and3A_185 = vector.broadcast %and3A_184 : i32 to vector<16xi32>
        %and3A_186 = arith.andi %add3A_183, %and3A_185 : vector<16xi32>
        %broadcast_in_dim3A_187 = vector.shape_cast %and3A_186 : vector<16xi32> to vector<16x1xi32>
        %gather3A_188 = vector.shape_cast %broadcast_in_dim3A_187 : vector<16x1xi32> to vector<16xi32>
        %gather3A_189 = tpu.dynamic_gather %add3A_180[%gather3A_188] in [0] : vector<16xf32>, vector<16xi32> -> vector<16xf32>
        %add3A_190 = arith.addf %add3A_180, %gather3A_189 : vector<16xf32>
        %mul3A_191 = arith.constant 1.562500e-02 : f32
        %mul3A_192 = vector.broadcast %mul3A_191 : f32 to vector<16xf32>
        %mul3A_193 = arith.mulf %add3A_190, %mul3A_192 : vector<16xf32>
        %mul3A_194 = arith.mulf %mul3A_149, %mul3A_149 : vector<16xf32>
        %sub3A = arith.subf %mul3A_193, %mul3A_194 : vector<16xf32>
        %max3A = arith.constant 0.000000e+00 : f32
        %max3A_195 = vector.broadcast %max3A : f32 to vector<16xf32>
        %max3A_196 = arith.maximumf %sub3A, %max3A_195 : vector<16xf32>
        %add3A_197 = arith.constant 1.562500e-07 : f32
        %add3A_198 = vector.broadcast %add3A_197 : f32 to vector<16xf32>
        %add3A_199 = arith.addf %max3A_196, %add3A_198 : vector<16xf32>
        %bitcast_convert_type3A = tpu.bitcast %add3A_199 : vector<16xf32> -> vector<16xi32>
        %shift_right_arithmetic3A = arith.constant 1 : i32
        %shift_right_arithmetic3A_200 = vector.broadcast %shift_right_arithmetic3A : i32 to vector<16xi32>
        %shift_right_arithmetic3A_201 = arith.shrsi %bitcast_convert_type3A, %shift_right_arithmetic3A_200 : vector<16xi32>
        %sub3A_202 = arith.constant 1597463007 : i32
        %sub3A_203 = vector.broadcast %sub3A_202 : i32 to vector<16xi32>
        %sub3A_204 = arith.subi %sub3A_203, %shift_right_arithmetic3A_201 : vector<16xi32>
        %bitcast_convert_type3A_205 = tpu.bitcast %sub3A_204 : vector<16xi32> -> vector<16xf32>
        %mul3A_206 = arith.constant 5.000000e-01 : f32
        %mul3A_207 = vector.broadcast %mul3A_206 : f32 to vector<16xf32>
        %mul3A_208 = arith.mulf %mul3A_207, %add3A_199 : vector<16xf32>
        %mul3A_209 = arith.mulf %mul3A_208, %bitcast_convert_type3A_205 : vector<16xf32>
        %mul3A_210 = arith.mulf %mul3A_209, %bitcast_convert_type3A_205 : vector<16xf32>
        %sub3A_211 = arith.constant 1.500000e+00 : f32
        %sub3A_212 = vector.broadcast %sub3A_211 : f32 to vector<16xf32>
        %sub3A_213 = arith.subf %sub3A_212, %mul3A_210 : vector<16xf32>
        %mul3A_214 = arith.mulf %bitcast_convert_type3A_205, %sub3A_213 : vector<16xf32>
        %mul3A_215 = arith.constant 5.000000e-01 : f32
        %mul3A_216 = vector.broadcast %mul3A_215 : f32 to vector<16xf32>
        %mul3A_217 = arith.mulf %mul3A_216, %add3A_199 : vector<16xf32>
        %mul3A_218 = arith.mulf %mul3A_217, %mul3A_214 : vector<16xf32>
        %mul3A_219 = arith.mulf %mul3A_218, %mul3A_214 : vector<16xf32>
        %sub3A_220 = arith.constant 1.500000e+00 : f32
        %sub3A_221 = vector.broadcast %sub3A_220 : f32 to vector<16xf32>
        %sub3A_222 = arith.subf %sub3A_221, %mul3A_219 : vector<16xf32>
        %mul3A_223 = arith.mulf %mul3A_214, %sub3A_222 : vector<16xf32>
        %mul3A_224 = arith.constant 5.000000e-01 : f32
        %mul3A_225 = vector.broadcast %mul3A_224 : f32 to vector<16xf32>
        %mul3A_226 = arith.mulf %mul3A_225, %add3A_199 : vector<16xf32>
        %mul3A_227 = arith.mulf %mul3A_226, %mul3A_223 : vector<16xf32>
        %mul3A_228 = arith.mulf %mul3A_227, %mul3A_223 : vector<16xf32>
        %sub3A_229 = arith.constant 1.500000e+00 : f32
        %sub3A_230 = vector.broadcast %sub3A_229 : f32 to vector<16xf32>
        %sub3A_231 = arith.subf %sub3A_230, %mul3A_228 : vector<16xf32>
        %mul3A_232 = arith.mulf %mul3A_223, %sub3A_231 : vector<16xf32>
        %sub3A_233 = arith.subf %add3A_63, %mul3A_149 : vector<16xf32>
        %mul3A_234 = arith.mulf %sub3A_233, %mul3A_232 : vector<16xf32>
        %mul3A_235 = arith.mulf %mul3A_234, %get3A_4 : vector<16xf32>
        %add3A_236 = arith.addf %mul3A_235, %get3A_16 : vector<16xf32>
        %swap3A = arith.index_cast %scan3A_51 : i32 to index
        %swap3A_237 = arith.constant 0 : index
        %swap3A_238 = tpu.vector_load %arg11[%swap3A, %swap3A_237] {strides = array<i32>} : memref<128x64xf32, #tpu.memory_space<vmem>>, vector<1x16xf32>,
        %swap3A_239 = vector.shape_cast %swap3A_238 : vector<1x16xf32> to vector<16xf32>
        %swap3A_240 = vector.shape_cast %add3A_236 : vector<16xf32> to vector<1x16xf32>
        tpu.vector_store %arg11[%swap3A, %swap3A_237], %swap3A_240 {strides = array<i32>} : memref<128x64xf32, #tpu.memory_space<vmem>>, vector<1x16xf32>,
        %sub3A_241 = arith.subf %add3A_75, %mul3A_149 : vector<16xf32>
        %mul3A_242 = arith.mulf %sub3A_241, %mul3A_232 : vector<16xf32>
        %mul3A_243 = arith.mulf %mul3A_242, %get3A_7 : vector<16xf32>
        %add3A_244 = arith.addf %mul3A_243, %get3A_19 : vector<16xf32>
        %swap3A_245 = arith.index_cast %scan3A_51 : i32 to index
        %swap3A_246 = arith.constant 16 : index
        %swap3A_247 = tpu.vector_load %arg11[%swap3A_245, %swap3A_246] {strides = array<i32>} : memref<128x64xf32, #tpu.memory_space<vmem>>, vector<1x16xf32>,
        %swap3A_248 = vector.shape_cast %swap3A_247 : vector<1x16xf32> to vector<16xf32>
        %swap3A_249 = vector.shape_cast %add3A_244 : vector<16xf32> to vector<1x16xf32>
        tpu.vector_store %arg11[%swap3A_245, %swap3A_246], %swap3A_249 {strides = array<i32>} : memref<128x64xf32, #tpu.memory_space<vmem>>, vector<1x16xf32>,
        %sub3A_250 = arith.subf %add3A_87, %mul3A_149 : vector<16xf32>
        %mul3A_251 = arith.mulf %sub3A_250, %mul3A_232 : vector<16xf32>
        %mul3A_252 = arith.mulf %mul3A_251, %get3A_10 : vector<16xf32>
        %add3A_253 = arith.addf %mul3A_252, %get3A_22 : vector<16xf32>
        %swap3A_254 = arith.index_cast %scan3A_51 : i32 to index
        %swap3A_255 = arith.constant 32 : index
        %swap3A_256 = tpu.vector_load %arg11[%swap3A_254, %swap3A_255] {strides = array<i32>} : memref<128x64xf32, #tpu.memory_space<vmem>>, vector<1x16xf32>,
        %swap3A_257 = vector.shape_cast %swap3A_256 : vector<1x16xf32> to vector<16xf32>
        %swap3A_258 = vector.shape_cast %add3A_253 : vector<16xf32> to vector<1x16xf32>
        tpu.vector_store %arg11[%swap3A_254, %swap3A_255], %swap3A_258 {strides = array<i32>} : memref<128x64xf32, #tpu.memory_space<vmem>>, vector<1x16xf32>,
        %sub3A_259 = arith.subf %add3A_99, %mul3A_149 : vector<16xf32>
        %mul3A_260 = arith.mulf %sub3A_259, %mul3A_232 : vector<16xf32>
        %mul3A_261 = arith.mulf %mul3A_260, %get3A_13 : vector<16xf32>
        %add3A_262 = arith.addf %mul3A_261, %get3A_25 : vector<16xf32>
        %swap3A_263 = arith.index_cast %scan3A_51 : i32 to index
        %swap3A_264 = arith.constant 48 : index
        %swap3A_265 = tpu.vector_load %arg11[%swap3A_263, %swap3A_264] {strides = array<i32>} : memref<128x64xf32, #tpu.memory_space<vmem>>, vector<1x16xf32>,
        %swap3A_266 = vector.shape_cast %swap3A_265 : vector<1x16xf32> to vector<16xf32>
        %swap3A_267 = vector.shape_cast %add3A_262 : vector<16xf32> to vector<1x16xf32>
        tpu.vector_store %arg11[%swap3A_263, %swap3A_264], %swap3A_267 {strides = array<i32>} : memref<128x64xf32, #tpu.memory_space<vmem>>, vector<1x16xf32>,
      }
      %scan3A_50 = arith.constant 128 : i32
      "tpu.region"() ({
        %run_scoped3A = tpu.sem_alloc : memref<!tpu.dma_semaphore, #tpu.memory_space<semaphore_mem>>
        %dma_start3A_51 = arith.constant 0 : i32
        %dma_start3A_52 = tpu.memref_slice %arg8[%add3A_34, %dma_start3A_51] : memref<819200x64xf32, #tpu.memory_space<hbm>> -> memref<128x64xf32, #tpu.memory_space<hbm>>
        %dma_start3A_53 = arith.constant 0 : i32
        %dma_start3A_54 = tpu.memref_slice %arg8[%add3A_34, %dma_start3A_53] : memref<819200x64xf32, #tpu.memory_space<hbm>> -> memref<128x64xf32, #tpu.memory_space<hbm>>
        tpu.enqueue_dma source(%arg11 : memref<128x64xf32, #tpu.memory_space<vmem>>) target(%dma_start3A_54 : memref<128x64xf32, #tpu.memory_space<hbm>>) target_semaphore(%run_scoped3A : memref<!tpu.dma_semaphore, #tpu.memory_space<semaphore_mem>>)
        %dma_wait3A_55 = arith.constant 0 : i32
        %dma_wait3A_56 = tpu.memref_slice %arg8[%add3A_34, %dma_wait3A_55] : memref<819200x64xf32, #tpu.memory_space<hbm>> -> memref<128x64xf32, #tpu.memory_space<hbm>>
        %dma_wait3A_57 = arith.constant 0 : i32
        %dma_wait3A_58 = tpu.memref_slice %arg8[%add3A_34, %dma_wait3A_57] : memref<819200x64xf32, #tpu.memory_space<hbm>> -> memref<128x64xf32, #tpu.memory_space<hbm>>
        tpu.wait_dma2 semaphore(%run_scoped3A : memref<!tpu.dma_semaphore, #tpu.memory_space<semaphore_mem>>) src(%arg11 : memref<128x64xf32, #tpu.memory_space<vmem>>) dst(%dma_wait3A_58 : memref<128x64xf32, #tpu.memory_space<hbm>>)
        tpu.yield
      }) : () -> ()
    }
    %scan3A_30 = arith.constant 200 : i32
    return
  }
}

</mosaic_0001>

<sc_bundles>
// kernel: kernel.3.cloned.1.call-start
scs
__scs_entry_jumppad:
0x0: {  	(pc) =	sbr.rel $0x88, $3  }
0x1: {  	(tag) =	ssettag $0x0;
	lr =	simm.s32 $0x1  }
0x2: {  	[smem:$0x3F9B] =	sst lr;
	_ =	strace $0xD0000000  }
0x3: {  	_ = 	snop  }
0x4: {  	_ = 	snop  }
0x5: {  	_ = 	snop  }
0x6: {  	_ = 	snop  }
0x7: {  	_ = 	snop  }
__scs_overlays_trampoline_lowered:
0x8: {  	[smem:$0x3FAA] =	sst s0  }
0x9: {  	[smem:$0x3FAB] =	sst s1  }
0xa: {  	[smem:$0x3FAC] =	sst s2  }
0xb: {  	[smem:$0x3FAD] =	sst s3  }
0xc: {  	[smem:$0x3FAE] =	sst s4  }
0xd: {  	[smem:$0x3FAF] =	sst s5  }
0xe: {  	[smem:$0x3FB0] =	sst s6  }
0xf: {  	[smem:$0x3FB1] =	sst s7  }
0x10: {  	[smem:$0x3FB2] =	sst s8  }
0x11: {  	[smem:$0x3FB3] =	sst s9;
	s0 =	simm.s32 @!p0 $0x0  }
0x12: {  	s1 =	sld [smem:$0x3F99];
	s0 =	simm.s32 @p0 $0x1  }
0x13: {  	[smem:$0x3FB4] =	sst s0;
	s0 =	simm.s32 @!p1 $0x0  }
0x14: {  	s2 =	sld [smem:$0x3F98];
	s0 =	simm.s32 @p1 $0x1  }
0x15: {  	[smem:$0x3FB5] =	sst s0;
	s0 =	simm.s32 @!p2 $0x0  }
0x16: {  	s3 =	sld [smem:$0x3FDB];
	s0 =	simm.s32 @p2 $0x1  }
0x17: {  	s4 =	simm.s32 $0x1BF5;
	[smem:$0x3FB7] =	sst s0  }
0x18: {  	s0 =	sld [smem:$0x3F9A];
	_ =	swait.ge [sflag:s4], $0x0  }
0x19: {  	s7 =	sld [smem:$0x3F9B]  }
0x1a: {  	s8 =	sadd.s32 $0xFFFFE003, lr  }
0x1b: {  	s9 =	sadd.s32 $0xFFFFFEF7, lr;
	s5 =	simm.s32 $0xFFFFFFFF;
	p2 =	slt.u32 s8, $0xFFFFF086  }
0x1c: {  	p1 =	slt.u32 s9, $0xF7A;
	s5 =	simm.s32 @!p2 $0x0  }
0x1d: {  	s5 =	simm.s32 @p1 $0x1;
	p0 =	seq.s32 s7, s2  }
0x1e: {  	s7 =	smul.u32 @!p0 $0xF7A, s2;
	p2 =	seq.s32 @!p0 s5, $0x0  }
0x1f: {  	s9 =	smul.u32 $0xF7A, s1;
	s8 =	simm.s32 @!p0 $0x1BF5;
	p2 =	por !p2, p0  }
0x20: {  	[sflag:s8] =	ssyncset.s32 @!p0 $0xFFFFF086;
	s6 =	sadd.s32 @!p0 s3, s7;
	s7 =	simm.s32 @!p0 $0x108  }
0x21: {  	s3 =	sadd.s32 s3, s9;
	s6 =	sadd.s32 @!p0 $0x88, s6;
	s7 =	simm.s32 @p2 $0x1082  }
0x22: {  	[simem:s7], [sflag:s8] =	dma.local @!p0 [hbm:s6], $0xF7A  }
0x23: {  	s9 =	sor.u32 $0xD0000000, s2;
	s6 =	simm.s32 $0x108;
	_ =	swait.ge @!p0 [sflag:s8], $0x0  }
0x24: {  	s3 =	sadd.s32 $0x88, s3;
	s6 =	simm.s32 @!p1 $0x1082;
	[sflag:s4] =	ssyncset.s32 $0xFFFFF086  }
0x25: {  	[simem:s6], [sflag:s4] =	dma.local [hbm:s3], $0xF7A  }
0x26: {  	[smem:$0x3F9B] =	sst s1;
	(tag) =	ssettag s2;
	_ =	strace s9  }
0x27: {  	s1 =	sld [smem:$0x3FAB]  }
0x28: {  	s2 =	sld [smem:$0x3FAC]  }
0x29: {  	s4 =	sld [smem:$0x3FAE]  }
0x2a: {  	p0 =	seq.s32 s5, $0x0;
	s5 =	sld [smem:$0x3FAF]  }
0x2b: {  	s6 =	sld [smem:$0x3FB0]  }
0x2c: {  	s7 =	sld [smem:$0x3FB1]  }
0x2d: {  	s3 =	simm.s32 $0x108;
	s8 =	sld [smem:$0x3FB2]  }
0x2e: {  	s3 =	simm.s32 @!p0 $0x1082;
	s9 =	sld [smem:$0x3FB3]  }
0x2f: {  	lr =	sadd.s32 s0, s3;
	s0 =	sld [smem:$0x3FAA]  }
0x30: {  	s3 =	sld [smem:$0x3FAD]  }
0x31: {  	[smem:$0x3FB6] =	sst s10  }
0x32: {  	s10 =	sld [smem:$0x3FB4];
	_ =	sdelay $0x3  }
0x33: {  	p0 =	seq.s32 s10, $0x1;
	s10 =	sld [smem:$0x3FB6];
	_ =	sdelay $0x3  }
0x34: {  	[smem:$0x3FB6] =	sst s10  }
0x35: {  	s10 =	sld [smem:$0x3FB5];
	_ =	sdelay $0x3  }
0x36: {  	p1 =	seq.s32 s10, $0x1;
	s10 =	sld [smem:$0x3FB6];
	_ =	sdelay $0x3  }
0x37: {  	[smem:$0x3FB6] =	sst s10  }
0x38: {  	s10 =	sld [smem:$0x3FB7]  }
0x39: {  	_ = 	snop;
	(pc) =	sbr.ind lr, $3  }
0x3a: {  	_ = 	snop  }
0x3b: {  	_ = 	snop  }
0x3c: {  	p2 =	seq.s32 s10, $0x1;
	s10 =	sld [smem:$0x3FB6]  }
0x3d: {  	_ =	shalt  }
0x3e: {  	_ =	shalt  }
0x3f: {  	_ =	shalt  }
0x40: {  	_ =	shalt  }
0x41: {  	_ =	shalt  }
0x42: {  	_ =	shalt  }
0x43: {  	_ =	shalt  }
0x44: {  	_ =	shalt  }
0x45: {  	_ =	shalt  }
0x46: {  	_ =	shalt  }
0x47: {  	_ =	shalt  }
0x48: {  	_ =	shalt  }
0x49: {  	_ =	shalt  }
0x4a: {  	_ =	shalt  }
0x4b: {  	_ =	shalt  }
0x4c: {  	_ =	shalt  }
0x4d: {  	_ =	shalt  }
0x4e: {  	_ =	shalt  }
0x4f: {  	_ =	shalt  }
0x50: {  	_ =	shalt  }
0x51: {  	_ =	shalt  }
0x52: {  	_ =	shalt  }
0x53: {  	_ =	shalt  }
0x54: {  	_ =	shalt  }
0x55: {  	_ =	shalt  }
0x56: {  	_ =	shalt  }
0x57: {  	_ =	shalt  }
0x58: {  	_ =	shalt  }
0x59: {  	_ =	shalt  }
0x5a: {  	_ =	shalt  }
0x5b: {  	_ =	shalt  }
0x5c: {  	_ =	shalt  }
0x5d: {  	_ =	shalt  }
0x5e: {  	_ =	shalt  }
0x5f: {  	_ =	shalt  }
0x60: {  	_ =	shalt  }
0x61: {  	_ =	shalt  }
0x62: {  	_ =	shalt  }
0x63: {  	_ =	shalt  }
0x64: {  	_ =	shalt  }
0x65: {  	_ =	shalt  }
0x66: {  	_ =	shalt  }
0x67: {  	_ =	shalt  }
0x68: {  	_ =	shalt  }
0x69: {  	_ =	shalt  }
0x6a: {  	_ =	shalt  }
0x6b: {  	_ =	shalt  }
0x6c: {  	_ =	shalt  }
0x6d: {  	_ =	shalt  }
0x6e: {  	_ =	shalt  }
0x6f: {  	_ =	shalt  }
0x70: {  	_ =	shalt  }
0x71: {  	_ =	shalt  }
0x72: {  	_ =	shalt  }
0x73: {  	_ =	shalt  }
0x74: {  	_ =	shalt  }
0x75: {  	_ =	shalt  }
0x76: {  	_ =	shalt  }
0x77: {  	_ =	shalt  }
0x78: {  	_ =	shalt  }
0x79: {  	_ =	shalt  }
0x7a: {  	_ =	shalt  }
0x7b: {  	_ =	shalt  }
0x7c: {  	_ =	shalt  }
0x7d: {  	_ =	shalt  }
0x7e: {  	_ =	shalt  }
0x7f: {  	_ =	shalt  }
0x80: {  	_ =	shalt  }
0x81: {  	_ =	shalt  }
0x82: {  	_ =	shalt  }
0x83: {  	_ =	shalt  }
0x84: {  	_ =	shalt  }
0x85: {  	_ =	shalt  }
0x86: {  	_ =	shalt  }
0x87: {  	_ =	shalt  }
.Lfunc_end0:
.L_simem_size_0:
called_computation.1_lowered:
.L_overlay_start_0:
0x88: {  	s2 =	sld [smem:$0x3FD9]  }
0x89: {  	s3 =	sld [smem:$0x3FFE];
	_ =	sdelay $0x1  }
0x8a: {  	s1 =	srdreg.scid  }
0x8b: {  	s0 =	sand.u32 $0x1, s1  }
0x8c: {  	s17 =	sshll.u32 s0, $0xA;
	s2 =	sadd.s32 s3, s2  }
0x8d: {  	s2 =	sadd.s32 s2, s17  }
0x8e: {  	[smem:$0x3FC2] =	sst s2  }
0x8f: {  	_ = 	snop  }
0x90: {  	s2 =	sld [smem:$0x3FC5]  }
0x91: {  	s18 =	sld [smem:$0x3FC4]  }
0x92: {  	s4 =	sld [smem:$0x3FD0];
	(tm) =	ssettm $0x1  }
0x93: {  	s5 =	sld [smem:$0x3FFB];
	_ =	sdelay $0x3  }
0x94: {  	_ =	strace s5  }
0x95: {  	s5 =	sld [smem:$0x3FFC];
	_ =	sdelay $0x3  }
0x96: {  	_ =	strace s5  }
0x97: {  	s5 =	sld [smem:$0x3FFD];
	_ =	sdelay $0x3  }
0x98: {  	_ =	strace s5  }
0x99: {  	_ =	strace $0x8FFFFFFF  }
0x9a: {  	s19 =	sld [smem:$0x3FDB];
	_ =	sdelay $0x1  }
0x9b: {  	s6 =	simm.s32 $_scs_section_size  }
0x9c: {  	s7 =	simm.s32 $_size__tile_overlayer_lowered;
	s8 =	simm.s32 $_tile_overlayer_lowered  }
0x9d: {  	s22 =	simm.s32 $0x1BFF;
	s21 =	sshll.u32 s8, $0x1;
	s5 =	sadd.s32 s6, s19  }
0x9e: {  	s9 =	simm.s32 $0x0;
	s20 =	sshll.u32 s7, $0x1;
	s7 =	sadd.s32 s21, s5  }
0x9f: {  	[timem:s9], [sflag:s22] =	dma.local [hbm:s7], s20  }
0xa0: {  	_ =	swait.ge [sflag:s22], s20  }
0xa1: {  	s6 =	ssub.s32 $0x0, s20;
	[sflag:s22] =	ssyncset.done $0x0  }
0xa2: {  	[sflag:s22] =	ssyncadd.s32 s6;
	_ =	sdelay $0x1  }
0xa3: {  	s23 =	simm.s32 $0x1B8B  }
0xa4: {  	_ =	swait.ge [sflag:s23], $0x1  }
0xa5: {  	[sflag:s23] =	ssyncset.done $0x0  }
0xa6: {  	s25 =	simm.s32 $0x1B8E;
	s24 =	sld [smem:$0x3FFE];
	[sflag:s23] =	ssyncadd.s32 $0xFFFFFFFF  }
0xa7: {  	s26 =	simm.s32 $execute0_lowered;
	[smem:$0x3FD2] =	sst s25  }
0xa8: {  	s7 =	sshll.u32 s26, $0x1;
	_ =	strace $0x80000046;
	[dreg:$0x1] =	wrdreg $0xFFFFFFFF  }
0xa9: {  	s28 =	simm.s32 $_size_execute0_lowered;
	s5 =	sadd.s32 s5, s7;
	[dreg:$0x0] =	wrdreg $0x0  }
0xaa: {  	s7 =	sshll.u32 s28, $0x1;
	[dreg:$0x2] =	wrdreg s5  }
0xab: {  	[dreg:$0x3] =	wrdreg s7  }
0xac: {  	[dreg:$0x4] =	wrdreg $0xC0  }
0xad: {  	_ =	task [dreg:s9], $0x5FFFF  }
0xae: {  	[dreg:$0x1] =	wrdreg $0xFFFFFFFF  }
0xaf: {  	[dreg:$0x0] =	wrdreg $0x60  }
0xb0: {  	[dreg:$0x2] =	wrdreg s24  }
0xb1: {  	[dreg:$0x3] =	wrdreg s2  }
0xb2: {  	[dreg:$0x4] =	wrdreg s18  }
0xb3: {  	[dreg:$0x5] =	wrdreg s4  }
0xb4: {  	[dreg:$0x6] =	wrdreg $0x9  }
0xb5: {  	_ =	task.clear_ibuf [dreg:s9], $0x7FFFF;
	_ =	strace $0x90000046  }
0xb6: {  	s29 =	simm.s32 $0x9;
	_ =	strace $0x80000048  }
0xb7: {  	_ =	swait.ge [sflag:s29], $0x1  }
0xb8: {  	[sflag:s29] =	ssyncadd.s32 $0xFFFFFFFF  }
0xb9: {  	_ =	strace $0x90000048  }
0xba: {  	_ =	sfence  }
0xbb: {  	s30 =	sld [smem:$0x0];
	_ =	sdelay $0x2  }
0xbc: {  	s31 =	sshll.u32 s1, $0xD;
	s1 =	sshrl.u32 s1, $0x2  }
0xbd: {  	s3 =	sand.u32 $0x4000, s31;
	s1 =	sadd.s32 s1, s30  }
0xbe: {  	s0 =	sor.u32 s3, s0;
	s1 =	sshll.u32 s1, $0x11  }
0xbf: {  	s0 =	sor.u32 s1, s0  }
0xc0: {  	s0 =	sadd.s32 $0x8F2B, s0  }
0xc1: {  	[sflag:s0] =	ssyncadd.remote.s32 $0x1  }
0xc2: {  	_ =	sfence.sel $0xFFFF  }
0xc3: {  	[dreg:$0x0] =	wrdreg $0xFFFFFFFF;
	(pc) =	sbr.abs _section_cstart, $3  }
0xc4: {  	[dreg:$0x1] =	wrdreg $0xFFFFFFFF  }
0xc5: {  	_ =	task.clear_ibuf [dreg:s9], $0x2FFFF;
	_ =	strace $0x9FFFFFFF  }
0xc6: {  	(tm) =	ssettm $0x7FFFFFFF  }
0xc7: {  	_ =	shalt  }
tec
execute0_lowered:
.L_overlay_start_1:
0x0: {  	(tag) =	ssettag $0x1  }
0x1: {  	s9 =	rddreg [dreg:$0x0]  }
0x2: {  	s0 =	rddreg [dreg:$0x1];
	v0 =	vimm.s32 $0xFEDCBA98;
	v1 =	vimm.s32 $0x76543210  }
0x3: {  	s1 =	rddreg [dreg:$0x2];
	v2 =	vimm.s32 $0x3210FEDC;
	v3 =	vimm.s32 $0xBA987654;
	v4 =	vimm.s32 $0x10FEDCBA  }
0x4: {  	s3 =	rddreg [dreg:$0x3];
	v5 =	vimm.s32 $0x98765432;
	v6 =	vimm.s32 $0xFEDCBA9;
	v7 =	vimm.s32 $0x87654321  }
0x5: {  	s4 =	simm.s32 $0x0;
	s2 =	rddreg [dreg:$0x4];
	s5 =	srdreg.scid;
	v0 =	vunpack.c.l.s4.s8 v0;
	v1 =	vunpack.c.l.s4.s8 v1;
	v2 =	vunpack.c.l.s4.s8 v2  }
0x6: {  	s14 =	simm.s32 $0x4140;
	s15 =	simm.s32 $0x80;
	s16 =	simm.s32 $0x100;
	v3 =	vunpack.c.l.s4.s8 v3;
	v4 =	vunpack.c.l.s4.s8 v4;
	v5 =	vunpack.c.l.s4.s8 v5  }
0x7: {  	s17 =	simm.s32 $0x2100;
	s18 =	simm.s32 $0x1;
	s19 =	simm.s32 $0x2;
	v6 =	vunpack.c.l.s4.s8 v6;
	v7 =	vunpack.c.l.s4.s8 v7;
	v0 =	vunpack.c.0.s8.s32 v0  }
0x8: {  	s20 =	simm.s32 $0x0;
	[smem:$0x7FF] =	sst s4;
	s10 =	sand.u32 $0x1, s5;
	v2 =	vunpack.c.0.s8.s32 v2;
	v3 =	vunpack.c.0.s8.s32 v3;
	v4 =	vunpack.c.0.s8.s32 v4  }
0x9: {  	s6 =	sadd.s32 $0x19E00, s9;
	s5 =	stileid.u32;
	s7 =	sadd.s32 $0xE00, s9;
	v5 =	vunpack.c.0.s8.s32 v5;
	v6 =	vunpack.c.0.s8.s32 v6;
	v7 =	vunpack.c.0.s8.s32 v7  }
0xa: {  	s8 =	sadd.s32 $0xF43200, s9;
	s9 =	sadd.s32 $0x32E00, s9;
	s11 =	ssub.s32 $0x2, s10;
	v1 =	vunpack.c.0.s8.s32 v1;
	v2 =	vcombine.low v3, v2  }
0xb: {  	_ =	strace $0x80000047;
	s13 =	sshll.u32 s5, $0x1;
	s12 =	sshrl.u32 s11, $0x1;
	v3 =	vcombine.low v5, v4;
	v4 =	vcombine.low v7, v6;
	v0 =	vand.u32 $0xF, v0  }
0xc: {  	s10 =	sor.u32 s10, s13;
	s13 =	simm.s32 $0x3;
	s11 =	ssub.s32 s11, s12;
	v0 =	vcombine.low v0, v1  }
0xd: {  	s10 =	smul.u32 $0x6400, s10;
	s12 =	simm.s32 $0x4100;
	s11 =	smax.u32 s11, $0x1;
	v1 =	vand.u32 $0xF, v2;
	v2 =	vand.u32 $0xF, v3;
	v3 =	vand.u32 $0xF, v4  }
.LBB2_1:
0xe: {  	[tilespmem:s12], [sflag:$0x3] =	stream.linear.gather [hbm4b:s0+s4], $0x40, $0x38;
	[tilespmem:$0x4180] =	vst v63  }
0xf: {  	_ =	swait.ge [sflag:s13], $0x40  }
0x10: {  	[sflag:s13] =	ssyncset.done $0x0  }
0x11: {  	[sflag:s13] =	ssyncadd.s32 $0xFFFFFFC0  }
0x12: {  	[tilespmem:s14], [sflag:$0x3] =	stream.linear.gather [hbm4b:s1+s4], $0x40, $0x38;
	[tilespmem:$0x4180] =	vst v63  }
0x13: {  	_ =	swait.ge [sflag:s13], $0x40  }
0x14: {  	[sflag:s13] =	ssyncset.done $0x0  }
0x15: {  	[sflag:s13] =	ssyncadd.s32 $0xFFFFFFC0  }
0x16: {  	v4 =	vld [tilespmem:$0x4100]  }
0x17: {  	v5 =	vld [tilespmem:$0x4110]  }
0x18: {  	v6 =	vld [tilespmem:$0x4120]  }
0x19: {  	v7 =	vld [tilespmem:$0x4130]  }
0x1a: {  	v8 =	vld [tilespmem:$0x4140]  }
0x1b: {  	v9 =	vld [tilespmem:$0x4150]  }
0x1c: {  	v10 =	vld [tilespmem:$0x4160]  }
0x1d: {  	s21 =	simm.s32 $0x0;
	v11 =	vld [tilespmem:$0x4170]  }
.LBB2_2:
0x1e: {  	s22 =	sshll.u32 s21, $0x7  }
0x1f: {  	s22 =	sadd.s32 s10, s22  }
0x20: {  	s23 =	sshrl.u32 s22, $0x3  }
0x21: {  	s25 =	simm.s32 $0x0;
	s24 =	sadd.s32 s6, s23  }
0x22: {  	[tilespmem:s25], [sflag:$0x3] =	stream.linear.gather [hbm4b:s24+s25], $0x80, $0x38;
	[tilespmem:$0x4180] =	vst v63  }
0x23: {  	_ =	swait.ge [sflag:s13], $0x80  }
0x24: {  	[sflag:s13] =	ssyncset.done $0x0  }
0x25: {  	s23 =	sadd.s32 s7, s23;
	[sflag:s13] =	ssyncadd.s32 $0xFFFFFF80  }
0x26: {  	[tilespmem:s15], [sflag:$0x3] =	stream.linear.gather [hbm4b:s23+s25], $0x80, $0x38;
	[tilespmem:$0x4180] =	vst v63  }
0x27: {  	_ =	swait.ge [sflag:s13], $0x80  }
0x28: {  	[sflag:s13] =	ssyncset.done $0x0  }
0x29: {  	[sflag:s13] =	ssyncadd.s32 $0xFFFFFF80  }
0x2a: {  	[tilespmem:s16], [sflag:$0x1] =	stream.indirect.gather [hbm4b:s8+s15], $0x40, s25, s15, $0xb8;
	[tilespmem:$0x4180] =	vst v63  }
0x2b: {  	_ = 	snop  }
0x2c: {  	[tilespmem:s17], [sflag:$0x2] =	stream.indirect.gather [hbm4b:s9+s15], $0x40, s15, s15, $0xb8;
	[tilespmem:$0x4180] =	vst v63  }
0x2d: {  	_ =	swait.ge [sflag:s18], $0x2000  }
0x2e: {  	[sflag:s18] =	ssyncset.done $0x0  }
0x2f: {  	[sflag:s18] =	ssyncadd.s32 $0xFFFFE000  }
0x30: {  	_ =	swait.ge [sflag:s19], $0x2000  }
0x31: {  	[sflag:s19] =	ssyncset.done $0x0  }
0x32: {  	s23 =	simm.s32 $0x0;
	[sflag:s19] =	ssyncadd.s32 $0xFFFFE000  }
0x33: {  	v12 =	vld [tilespmem:s23+$0x2130]  }
0x34: {  	v13 =	vld [tilespmem:s23+$0x2120]  }
0x35: {  	v14 =	vld [tilespmem:s23+$0x2110]  }
0x36: {  	v15 =	vld [tilespmem:s23+$0x2100]  }
0x37: {  	v16 =	vld [tilespmem:s23+$0x100]  }
0x38: {  	v17 =	vld [tilespmem:s23+$0x110]  }
0x39: {  	v18 =	vld [tilespmem:s23+$0x130]  }
0x3a: {  	v19 =	vld [tilespmem:s23+$0x120];
	_ =	sdelay $0x1  }
0x3b: {  	v14 =	vmul.f32 $1.250000000e-01, v14;
	v15 =	vmul.f32 $1.250000000e-01, v15  }
0x3c: {  	v12 =	vmul.f32 $1.250000000e-01, v12;
	v13 =	vmul.f32 $1.250000000e-01, v13  }
0x3d: {  	v15 =	vadd.f32 v15, v16;
	v14 =	vadd.f32 v14, v17  }
0x3e: {  	v16 =	vadd.f32 v13, v19;
	v12 =	vadd.f32 v12, v18  }
0x3f: {  	v13 =	vmul.f32 v15, v15;
	v17 =	vadd.f32 v14, v15;
	v18 =	vmul.f32 v14, v14  }
0x40: {  	v19 =	vadd.f32 v12, v16;
	v20 =	vmul.f32 v16, v16;
	v21 =	vmul.f32 v12, v12  }
0x41: {  	v13 =	vadd.f32 v18, v13  }
0x42: {  	v17 =	vadd.f32 v19, v17;
	v18 =	vadd.f32 v21, v20;
	_ =	sdelay $0x1  }
0x43: {  	v13 =	vadd.f32 v18, v13;
	v18 =	vperm.xlane v17, v0;
	_ =	sdelay $0x1  }
0x44: {  	v17 =	vadd.f32 v17, v18;
	v18 =	vperm.xlane v13, v0;
	_ =	sdelay $0x1  }
0x45: {  	v19 =	vperm.xlane v17, v1;
	v13 =	vadd.f32 v18, v13;
	_ =	sdelay $0x1  }
0x46: {  	v17 =	vadd.f32 v17, v19;
	v18 =	vperm.xlane v13, v1;
	_ =	sdelay $0x1  }
0x47: {  	v19 =	vperm.xlane v17, v2;
	v13 =	vadd.f32 v18, v13;
	_ =	sdelay $0x1  }
0x48: {  	v17 =	vadd.f32 v17, v19;
	v18 =	vperm.xlane v13, v2;
	_ =	sdelay $0x1  }
0x49: {  	v19 =	vperm.xlane v17, v3;
	v13 =	vadd.f32 v18, v13;
	_ =	sdelay $0x1  }
0x4a: {  	v17 =	vadd.f32 v17, v19;
	v18 =	vperm.xlane v13, v3;
	_ =	sdelay $0x1  }
0x4b: {  	v17 =	vmul.f32 $1.562500000e-02, v17;
	v13 =	vadd.f32 v18, v13;
	_ =	sdelay $0x1  }
0x4c: {  	v13 =	vmul.f32 $1.562500000e-02, v13;
	v18 =	vmul.f32 v17, v17;
	_ =	sdelay $0x1  }
0x4d: {  	v13 =	vsub.f32 v13, v18;
	_ =	sdelay $0x1  }
0x4e: {  	v13 =	vmax.f32 v13, $0.0e+00  }
0x4f: {  	v13 =	vadd.f32 $1.562499960e-07, v13;
	_ =	sdelay $0x1  }
0x50: {  	v18 =	vshra.s32 v13, $0x1;
	v13 =	vmul.f32 $5.000000000e-01, v13  }
0x51: {  	v18 =	vsub.s32 $0x5F3759DF, v18  }
0x52: {  	v19 =	vmul.f32 v18, v13;
	_ =	sdelay $0x1  }
0x53: {  	v19 =	vmul.f32 v18, v19;
	_ =	sdelay $0x1  }
0x54: {  	v19 =	vsub.f32 $1.500000000e+00, v19;
	_ =	sdelay $0x1  }
0x55: {  	v18 =	vmul.f32 v18, v19;
	_ =	sdelay $0x1  }
0x56: {  	v19 =	vmul.f32 v18, v13;
	_ =	sdelay $0x1  }
0x57: {  	v19 =	vmul.f32 v19, v18;
	_ =	sdelay $0x1  }
0x58: {  	v19 =	vsub.f32 $1.500000000e+00, v19;
	_ =	sdelay $0x1  }
0x59: {  	v18 =	vmul.f32 v19, v18;
	_ =	sdelay $0x1  }
0x5a: {  	v13 =	vmul.f32 v18, v13;
	_ =	sdelay $0x1  }
0x5b: {  	v13 =	vmul.f32 v13, v18;
	_ =	sdelay $0x1  }
0x5c: {  	v19 =	vsub.f32 $1.500000000e+00, v13  }
0x5d: {  	v15 =	vsub.f32 v15, v17;
	v13 =	vsub.f32 v14, v17  }
0x5e: {  	s24 =	simm.s32 $0x100;
	v14 =	vsub.f32 v12, v17;
	v12 =	vsub.f32 v16, v17;
	v16 =	vmul.f32 v19, v18  }
.LBB2_3:
0x5f: {  	_ = 	snop  }
0x60: {  	p0 =	sne.s32 s24, $0x7F00;
	s25 =	smov.u32 s24;
	s24 =	sadd.s32 $0x100, s24;
	v15 =	vmul.f32 v16, v15  }
0x61: {  	s25 =	sshra.s32 s25, $0x2;
	v13 =	vmul.f32 v16, v13;
	v14 =	vmul.f32 v16, v14  }
0x62: {  	v12 =	vmul.f32 v16, v12;
	v17 =	vld [tilespmem:s25+$0x2130];
	v15 =	vmul.f32 v15, v4  }
0x63: {  	v13 =	vmul.f32 v13, v5;
	v14 =	vmul.f32 v14, v7;
	v16 =	vld [tilespmem:s25+$0x2120]  }
0x64: {  	v12 =	vmul.f32 v12, v6;
	v18 =	vld [tilespmem:s25+$0x2110];
	v15 =	vadd.f32 v15, v8  }
0x65: {  	v13 =	vadd.f32 v13, v9;
	v14 =	vadd.f32 v14, v11  }
0x66: {  	v12 =	vadd.f32 v12, v10;
	v19 =	vld [tilespmem:s25+$0x2100];
	[tilespmem:s23+$0x100] =	vst v15  }
0x67: {  	v15 =	vld [tilespmem:s25+$0x100];
	v17 =	vmul.f32 $1.250000000e-01, v17;
	[tilespmem:s23+$0x110] =	vst v13  }
0x68: {  	v13 =	vld [tilespmem:s25+$0x110];
	v16 =	vmul.f32 $1.250000000e-01, v16;
	[tilespmem:s23+$0x130] =	vst v14  }
0x69: {  	v14 =	vmul.f32 $1.250000000e-01, v18;
	v18 =	vld [tilespmem:s25+$0x130];
	[tilespmem:s23+$0x120] =	vst v12;
	s23 =	smov.u32 s25  }
0x6a: {  	v12 =	vld [tilespmem:s23+$0x120]  }
0x6b: {  	v19 =	vmul.f32 $1.250000000e-01, v19;
	_ =	sdelay $0x1  }
0x6c: {  	v15 =	vadd.f32 v19, v15;
	v13 =	vadd.f32 v14, v13;
	_ =	sdelay $0x1  }
0x6d: {  	v14 =	vadd.f32 v17, v18;
	v12 =	vadd.f32 v16, v12;
	v16 =	vmul.f32 v15, v15  }
0x6e: {  	v17 =	vadd.f32 v13, v15;
	v18 =	vmul.f32 v13, v13  }
0x6f: {  	v21 =	vmul.f32 v14, v14;
	v19 =	vadd.f32 v14, v12;
	v20 =	vmul.f32 v12, v12  }
0x70: {  	v16 =	vadd.f32 v18, v16  }
0x71: {  	v17 =	vadd.f32 v19, v17;
	v18 =	vadd.f32 v21, v20;
	_ =	sdelay $0x1  }
0x72: {  	v16 =	vadd.f32 v18, v16;
	v18 =	vperm.xlane v17, v0;
	_ =	sdelay $0x1  }
0x73: {  	v17 =	vadd.f32 v17, v18;
	v18 =	vperm.xlane v16, v0;
	_ =	sdelay $0x1  }
0x74: {  	v19 =	vperm.xlane v17, v1;
	v16 =	vadd.f32 v18, v16;
	_ =	sdelay $0x1  }
0x75: {  	v17 =	vadd.f32 v17, v19;
	v18 =	vperm.xlane v16, v1;
	_ =	sdelay $0x1  }
0x76: {  	v19 =	vperm.xlane v17, v2;
	v16 =	vadd.f32 v18, v16;
	_ =	sdelay $0x1  }
0x77: {  	v17 =	vadd.f32 v17, v19;
	v18 =	vperm.xlane v16, v2;
	_ =	sdelay $0x1  }
0x78: {  	v19 =	vperm.xlane v17, v3;
	v16 =	vadd.f32 v18, v16;
	_ =	sdelay $0x1  }
0x79: {  	v17 =	vadd.f32 v17, v19;
	v18 =	vperm.xlane v16, v3;
	_ =	sdelay $0x1  }
0x7a: {  	v17 =	vmul.f32 $1.562500000e-02, v17;
	v16 =	vadd.f32 v18, v16;
	_ =	sdelay $0x1  }
0x7b: {  	v16 =	vmul.f32 $1.562500000e-02, v16;
	v18 =	vmul.f32 v17, v17;
	v15 =	vsub.f32 v15, v17  }
0x7c: {  	v13 =	vsub.f32 v13, v17;
	v14 =	vsub.f32 v14, v17  }
0x7d: {  	v12 =	vsub.f32 v12, v17;
	v16 =	vsub.f32 v16, v18;
	_ =	sdelay $0x1  }
0x7e: {  	v16 =	vmax.f32 v16, $0.0e+00  }
0x7f: {  	v16 =	vadd.f32 $1.562499960e-07, v16;
	_ =	sdelay $0x1  }
0x80: {  	v17 =	vshra.s32 v16, $0x1;
	v16 =	vmul.f32 $5.000000000e-01, v16  }
0x81: {  	v17 =	vsub.s32 $0x5F3759DF, v17  }
0x82: {  	v18 =	vmul.f32 v17, v16;
	_ =	sdelay $0x1  }
0x83: {  	v18 =	vmul.f32 v17, v18;
	_ =	sdelay $0x1  }
0x84: {  	v18 =	vsub.f32 $1.500000000e+00, v18;
	_ =	sdelay $0x1  }
0x85: {  	v17 =	vmul.f32 v17, v18;
	_ =	sdelay $0x1  }
0x86: {  	v18 =	vmul.f32 v17, v16;
	_ =	sdelay $0x1  }
0x87: {  	v18 =	vmul.f32 v18, v17;
	_ =	sdelay $0x1  }
0x88: {  	v18 =	vsub.f32 $1.500000000e+00, v18;
	_ =	sdelay $0x1  }
0x89: {  	v17 =	vmul.f32 v18, v17;
	_ =	sdelay $0x1  }
0x8a: {  	v16 =	vmul.f32 v17, v16;
	_ =	sdelay $0x1  }
.Ltmp0:
0x8b: {  	v16 =	vmul.f32 v16, v17;
	(pc) =	sbr.rel @p0 .LBB2_3-.Ltmp0, $3  }
0x8c: {  	_ = 	snop  }
0x8d: {  	v16 =	vsub.f32 $1.500000000e+00, v16;
	_ =	sdelay $0x1  }
0x8e: {  	v16 =	vmul.f32 v16, v17  }
0x8f: {  	_ = 	snop  }
0x90: {  	v15 =	vmul.f32 v16, v15  }
0x91: {  	v13 =	vmul.f32 v16, v13  }
0x92: {  	v14 =	vmul.f32 v16, v14;
	v15 =	vmul.f32 v15, v4  }
0x93: {  	v12 =	vmul.f32 v16, v12;
	v13 =	vmul.f32 v13, v5  }
0x94: {  	v14 =	vmul.f32 v14, v7;
	v15 =	vadd.f32 v15, v8  }
0x95: {  	v12 =	vmul.f32 v12, v6;
	v13 =	vadd.f32 v13, v9  }
0x96: {  	v14 =	vadd.f32 v14, v11;
	[tilespmem:s23+$0x100] =	vst v15  }
0x97: {  	s21 =	sadd.s32 $0x1, s21;
	v12 =	vadd.f32 v12, v10;
	[tilespmem:s23+$0x110] =	vst v13  }
0x98: {  	s22 =	sshll.u32 s22, $0x3;
	p0 =	sne.s32 s21, $0xC8;
	[tilespmem:s23+$0x130] =	vst v14  }
.Ltmp1:
0x99: {  	s22 =	sadd.s32 s3, s22;
	[tilespmem:s23+$0x120] =	vst v12;
	(pc) =	sbr.rel @p0 .LBB2_2-.Ltmp1, $4  }
0x9a: {  	[hbm4b:s22+s4] =	stream.linear.scatter [tilespmem:s16], [sflag:$0x3], $0x2000, $0x38;
	[tilespmem:$0x4180] =	vst v63  }
0x9b: {  	_ =	swait.ge [sflag:s13], $0x2000  }
0x9c: {  	[sflag:s13] =	ssyncset.done $0x0  }
0x9d: {  	[sflag:s13] =	ssyncadd.s32 $0xFFFFE000  }
0x9e: {  	s20 =	sadd.s32 $0x1, s20  }
0x9f: {  	p0 =	sne.s32 s20, s11  }
.Ltmp2:
0xa0: {  	_ = 	snop;
	(pc) =	sbr.rel @p0 .LBB2_1-.Ltmp2, $1  }
0xa1: {  	_ =	sdelay $0x3  }
0xa2: {  	_ =	sfence.sel $0x180000  }
0xa3: {  	[bflag:$0x0] =	sbarrier.arrive $0xFFFF  }
0xa4: {  	p0 =	sne.s32 s5, $0x0;
	_ =	strace $0x90000047  }
0xa5: {  	s0 =	sadd.s32 @!p0 $0x100000, s2;
	[bflag:$0x2] =	sbarrier.arrive $0xFFFF  }
0xa6: {  	[sflag:s0] =	ssyncadd.tile.s32 @!p0 $0x1;
	_ =	shalt  }
.Lfunc_end2:
_tile_overlayer_lowered:
.L_overlay_start_2:
0xa7: {  	(tag) =	ssettag $0x2  }
0xa8: {  	s0 =	rddreg [dreg:$0x0];
	s2 =	stileid.u32  }
0xa9: {  	s1 =	rddreg [dreg:$0x1];
	p0 =	sne.s32 s2, $0x0  }
0xaa: {  	s3 =	rddreg [dreg:$0x2];
	[bflag:$0x3] =	sbarrier.arrive $0xFFFF;
	s2 =	simm.s32 @!p0 $0x1C03  }
0xab: {  	[timem:s3], [sflag:s2] =	dma.local @!p0 [hbm:s0], s1  }
0xac: {  	s0 =	simm.s32 @!p0 $0x3  }
0xad: {  	_ =	swait.ge @!p0 [sflag:s0], s1  }
0xae: {  	s1 =	ssub.s32 @!p0 $0x0, s1;
	[sflag:s0] =	ssyncset.done @!p0 $0x0  }
0xaf: {  	[sflag:s0] =	ssyncadd.s32 @!p0 s1  }
0xb0: {  	[bflag:$0x3] =	sbarrier.arrive $0xFFFF  }
0xb1: {  	_ =	shalt  }

// kernel: sparse-core-data-format-call.cloned.1.call-start
scs
called_computation_lowered:
.L_overlay_start_0:
0x0: {  	s2 =	sld [smem:$0x3FD9]  }
0x1: {  	s3 =	sld [smem:$0x3FFE];
	_ =	sdelay $0x1  }
0x2: {  	s1 =	srdreg.scid  }
0x3: {  	s0 =	sand.u32 $0x1, s1  }
0x4: {  	s18 =	sshll.u32 s0, $0xA;
	s2 =	sadd.s32 s3, s2  }
0x5: {  	s2 =	sadd.s32 s2, s18  }
0x6: {  	[smem:$0x3FC2] =	sst s2  }
0x7: {  	_ = 	snop  }
0x8: {  	s2 =	sld [smem:$0x3FD0];
	(tm) =	ssettm $0x1  }
0x9: {  	s19 =	sld [smem:$0x3FFB];
	_ =	sdelay $0x3  }
0xa: {  	_ =	strace s19  }
0xb: {  	s3 =	sld [smem:$0x3FFC];
	_ =	sdelay $0x3  }
0xc: {  	_ =	strace s3  }
0xd: {  	s3 =	sld [smem:$0x3FFD];
	_ =	sdelay $0x3  }
0xe: {  	_ =	strace s3  }
0xf: {  	_ =	strace $0x8FFFFFFF  }
0x10: {  	s20 =	sld [smem:$0x3FDB];
	_ =	sdelay $0x1  }
0x11: {  	s4 =	simm.s32 $_scs_section_size  }
0x12: {  	s5 =	simm.s32 $_size__tile_overlayer_lowered;
	s6 =	simm.s32 $_tile_overlayer_lowered  }
0x13: {  	s23 =	simm.s32 $0x1BFF;
	s22 =	sshll.u32 s6, $0x1;
	s3 =	sadd.s32 s4, s20  }
0x14: {  	s7 =	simm.s32 $0x0;
	s21 =	sshll.u32 s5, $0x1;
	s5 =	sadd.s32 s22, s3  }
0x15: {  	[timem:s7], [sflag:s23] =	dma.local [hbm:s5], s21  }
0x16: {  	_ =	swait.ge [sflag:s23], s21  }
0x17: {  	s4 =	ssub.s32 $0x0, s21;
	[sflag:s23] =	ssyncset.done $0x0  }
0x18: {  	[sflag:s23] =	ssyncadd.s32 s4;
	_ =	sdelay $0x1  }
0x19: {  	s24 =	simm.s32 $0x1B8B  }
0x1a: {  	_ =	swait.ge [sflag:s24], $0x1  }
0x1b: {  	[sflag:s24] =	ssyncset.done $0x0  }
0x1c: {  	s26 =	simm.s32 $0x1B8E;
	s25 =	sld [smem:$0x3FFE];
	[sflag:s24] =	ssyncadd.s32 $0xFFFFFFFF  }
0x1d: {  	s27 =	simm.s32 $execute0_lowered;
	[smem:$0x3FD2] =	sst s26  }
0x1e: {  	s5 =	sshll.u32 s27, $0x1;
	_ =	strace $0x80000049;
	[dreg:$0x1] =	wrdreg $0xFFFFFFFF  }
0x1f: {  	s28 =	simm.s32 $_size_execute0_lowered;
	s3 =	sadd.s32 s3, s5;
	[dreg:$0x0] =	wrdreg $0x0  }
0x20: {  	s5 =	sshll.u32 s28, $0x1;
	[dreg:$0x2] =	wrdreg s3  }
0x21: {  	[dreg:$0x3] =	wrdreg s5  }
0x22: {  	[dreg:$0x4] =	wrdreg $0xC0  }
0x23: {  	_ =	task [dreg:s7], $0x5FFFF  }
0x24: {  	[dreg:$0x1] =	wrdreg $0xFFFFFFFF  }
0x25: {  	[dreg:$0x0] =	wrdreg $0x60  }
0x26: {  	[dreg:$0x2] =	wrdreg s25  }
0x27: {  	[dreg:$0x3] =	wrdreg s2  }
0x28: {  	[dreg:$0x4] =	wrdreg $0x9  }
0x29: {  	_ =	task.clear_ibuf [dreg:s7], $0x5FFFF;
	_ =	strace $0x90000049  }
0x2a: {  	s29 =	simm.s32 $0x9;
	_ =	strace $0x8000004B  }
0x2b: {  	_ =	swait.ge [sflag:s29], $0x1  }
0x2c: {  	[sflag:s29] =	ssyncadd.s32 $0xFFFFFFFF  }
0x2d: {  	_ =	strace $0x9000004B  }
0x2e: {  	_ =	sfence  }
0x2f: {  	s30 =	sld [smem:$0x0];
	_ =	sdelay $0x2  }
0x30: {  	s31 =	sshll.u32 s1, $0xD;
	s1 =	sshrl.u32 s1, $0x2  }
0x31: {  	s3 =	sand.u32 $0x4000, s31;
	s1 =	sadd.s32 s1, s30  }
0x32: {  	s0 =	sor.u32 s3, s0;
	s1 =	sshll.u32 s1, $0x11  }
0x33: {  	s0 =	sor.u32 s1, s0  }
0x34: {  	s0 =	sadd.s32 $0x8F2B, s0  }
0x35: {  	[sflag:s0] =	ssyncadd.remote.s32 $0x1  }
0x36: {  	_ =	sfence.sel $0xFFFF  }
0x37: {  	[dreg:$0x0] =	wrdreg $0xFFFFFFFF;
	(pc) =	sbr.abs _section_cstart, $3  }
0x38: {  	[dreg:$0x1] =	wrdreg $0xFFFFFFFF  }
0x39: {  	_ =	task.clear_ibuf [dreg:s7], $0x2FFFF;
	_ =	strace $0x9FFFFFFF  }
0x3a: {  	(tm) =	ssettm $0x7FFFFFFF  }
0x3b: {  	_ =	shalt  }
tec
execute0_lowered:
.L_overlay_start_1:
0x0: {  	(tag) =	ssettag $0x1  }
0x1: {  	s0 =	srdreg.scid  }
0x2: {  	s1 =	sshll.u32 s0, $0x4  }
0x3: {  	s5 =	rddreg [dreg:$0x0];
	s0 =	stileid.u32;
	s1 =	sand.u32 $0x10, s1  }
0x4: {  	s3 =	rddreg [dreg:$0x1];
	s31 =	simm.s32 $0x2;
	s4 =	sor.u32 s0, s1  }
0x5: {  	s13 =	simm.s32 $0x0;
	s9 =	simm.s32 $0x400;
	s2 =	sshll.u32 s4, $0x7  }
0x6: {  	s10 =	simm.s32 $0x8000;
	s14 =	simm.s32 $0x0;
	s6 =	ssub.s32 $0x1000, s2  }
0x7: {  	s1 =	rddreg [dreg:$0x2];
	_ =	strace $0x8000004A;
	s7 =	sand.u32 $0xF80, s6  }
0x8: {  	s4 =	sshll.u32 s4, $0xB;
	p0 =	sne.s32 s7, $0x0;
	s7 =	simm.s32 $0x1  }
.Ltmp0:
0x9: {  	s6 =	sshrl.u32 s6, $0xC;
	s7 =	simm.s32 @!p0 $0x0;
	(pc) =	sbr.rel .LBB1_1-.Ltmp0, $4  }
0xa: {  	s8 =	sadd.s32 s4, s5;
	s4 =	simm.s32 $0x1;
	s30 =	sadd.s32 s7, s6  }
0xb: {  	s11 =	simm.s32 $0x0;
	[sflag:s4] =	ssyncpa.u1 $0x0;
	s5 =	smul.u32 $0x64, s30  }
0xc: {  	s12 =	simm.s32 $0x0;
	[sflag:s31] =	ssyncpa.u1 $0x0;
	p0 =	por $0x0, $0x0  }
0xd: {  	s6 =	sadd.s32 $0xE00, s8;
	s7 =	sadd.s32 $0x10E00, s8;
	s8 =	sor.u32 $0x1, s5  }
.LBB1_7:
0xe: {  	s15 =	sadd.s32 $0x2, s11  }
0xf: {  	p2 =	sgt.s32 s15, $0xC7  }
0x10: {  	s15 =	simm.s32 @p2 $0x0;
	p2 =	sne.s32 s12, s8  }
.Ltmp1:
0x11: {  	p1 =	slt.u32 s12, $0x2;
	(pc) =	sbr.rel @!p2 .LBB1_8-.Ltmp1, $4  }
0x12: {  	s13 =	simm.s32 @!p1 $0x2  }
0x13: {  	s16 =	sadd.s32 $0x1, s12;
	s14 =	smov.u32 s11;
	_ =	swait.ge @!p1 [sflag:s13], $0x4000  }
0x14: {  	p0 =	por !p0, !p0;
	s12 =	smov.u32 s16;
	[sflag:s13] =	ssyncset.done @!p1 $0x0  }
0x15: {  	s11 =	smov.u32 s15;
	[sflag:s13] =	ssyncadd.s32 @!p1 $0xFFFFC000;
	s13 =	smov.u32 s2  }
.LBB1_1:
0x16: {  	p1 =	sge.u32 s12, s5  }
0x17: {  	s15 =	sxor.u32 @!p1 $0xFFFFFFFF, s12  }
0x18: {  	s16 =	sshll.u32 @!p1 s11, $0x10;
	s18 =	simm.s32 @!p1 $0x40;
	s15 =	sshll.u32 @!p1 s15, $0xE  }
0x19: {  	s19 =	simm.s32 @!p1 $0x80;
	s17 =	sadd.s32 @!p1 s16, s6;
	s15 =	sand.u32 @!p1 $0x4000, s15  }
0x1a: {  	[tilespmem:s15], [sflag:$0x1] =	stream.strided.gather @!p1 [hbm4b:s17+s18], $0x2000, s19, s18, $0x38;
	[tilespmem:$0x10100] =	vst v63  }
0x1b: {  	s31 =	sadd.s32 $0xFFFFFFFF, s12;
	s16 =	sadd.s32 @!p1 s16, s7;
	s15 =	sor.u32 @!p1 $0x2000, s15  }
0x1c: {  	[tilespmem:s15], [sflag:$0x1] =	stream.strided.gather @!p1 [hbm4b:s16+s18], $0x2000, s19, s18, $0x38;
	[tilespmem:$0x10100] =	vst v63  }
0x1d: {  	p1 =	sge.u32 s31, s5  }
.Ltmp2:
0x1e: {  	_ = 	snop;
	(pc) =	sbr.rel @p1 .LBB1_7-.Ltmp2, $1  }
0x1f: {  	_ =	sdelay $0x3  }
0x20: {  	s15 =	simm.s32 $0x1;
	s17 =	sand.u32 $0x1, s12  }
0x21: {  	_ =	swait.ge [sflag:s4], $0x4000;
	s15 =	simm.s32 @!p0 $0x0;
	s17 =	smul.u32 $0x10200, s17  }
0x22: {  	p2 =	por $0x1, $0x1;
	[sflag:s4] =	ssyncset.done $0x0;
	s16 =	smul.u32 $0x10200, s15  }
0x23: {  	s18 =	sshll.u32 s15, $0x10;
	[sflag:s4] =	ssyncadd.s32 $0xFFFFC000;
	s30 =	sshrl.u32 s17, $0x2  }
0x24: {  	s31 =	sshrl.u32 s18, $0x2;
	s18 =	simm.s32 $0x0;
	s16 =	sshrl.u32 s16, $0x2  }
0x25: {  	s15 =	sor.u32 $0x8000, s30;
	s17 =	sadd.s32 $0x20, s31;
	s16 =	sor.u32 $0x8000, s16  }
.LBB1_3:
0x26: {  	s19 =	sshll.u32 s18, $0xD  }
0x27: {  	s19 =	sand.u32 $0x3FFFE000, s19  }
0x28: {  	s21 =	sadd.s32 s19, s17  }
0x29: {  	s31 =	smul.u32 $0x8100, s18;
	v3 =	vld [tilespmem:s21+$0x10]  }
0x2a: {  	v1 =	vld [tilespmem:s21+$0xFFFFFFF0]  }
0x2b: {  	s18 =	sshra.s32 s31, $0x2;
	v0 =	vld [tilespmem:s21+$0x0]  }
0x2c: {  	s18 =	sadd.s32 s18, s16;
	v2 =	vld [tilespmem:s21+$0xFFFFFFE0]  }
0x2d: {  	s19 =	sadd.s32 $0x0, s18  }
0x2e: {  	p1 =	por p2, p2;
	s20 =	simm.s32 $0x4;
	s21 =	sadd.s32 $0x40, s21;
	[tilespmem:s19+$0x1830 ss:$0x81] =	vst.msk $0xffff, v3  }
.LBB1_4:
0x2f: {  	v3 =	vld [tilespmem:s21+$0x10];
	p2 =	sne.s32 s20, $0x1FC;
	[tilespmem:s19+$0x810 ss:$0x81] =	vst.msk $0xffff, v1;
	s22 =	smov.u32 s20;
	s20 =	sadd.s32 $0x4, s20  }
.Ltmp3:
0x30: {  	v1 =	vld [tilespmem:s21+$0xFFFFFFF0];
	[tilespmem:s19+$0x1020 ss:$0x81] =	vst.msk $0xffff, v0;
	(pc) =	sbr.rel @p2 .LBB1_4-.Ltmp3, $4  }
0x31: {  	v0 =	vld [tilespmem:s21+$0x0];
	[tilespmem:s19+$0x0 ss:$0x81] =	vst.msk $0xffff, v2  }
0x32: {  	s19 =	sshra.s32 s22, $0x2;
	v2 =	vld [tilespmem:s21+$0xFFFFFFE0]  }
0x33: {  	s19 =	sadd.s32 s19, s18  }
0x34: {  	s21 =	sadd.s32 $0x40, s21;
	[tilespmem:s19+$0x1830 ss:$0x81] =	vst.msk $0xffff, v3  }
.Ltmp4:
0x35: {  	(pc) =	sbr.rel @p1 .LBB1_3-.Ltmp4, $4  }
0x36: {  	_ = 	snop  }
0x37: {  	[tilespmem:s19+$0x810 ss:$0x81] =	vst.msk $0xffff, v1  }
0x38: {  	[tilespmem:s19+$0x1020 ss:$0x81] =	vst.msk $0xffff, v0  }
0x39: {  	s18 =	simm.s32 $0x1;
	p2 =	por $0x0, $0x0;
	[tilespmem:s19+$0x0 ss:$0x81] =	vst.msk $0xffff, v2  }
.Ltmp5:
0x3a: {  	(pc) =	sbr.rel .LBB1_7-.Ltmp5, $4  }
0x3b: {  	s14 =	sshll.u32 s14, $0xF  }
0x3c: {  	s14 =	sadd.s32 s3, s14  }
0x3d: {  	s13 =	sadd.s32 s13, s14  }
0x3e: {  	[hbm4b:s13+s9] =	stream.strided.scatter [tilespmem:s15], [sflag:$0x2], $0x4000, s10, s9, $0x20;
	[tilespmem:$0x10100] =	vst v63  }
.LBB1_8:
0x3f: {  	_ =	sfence.sel $0x180000  }
0x40: {  	s2 =	simm.s32 $0x1;
	[bflag:$0x0] =	sbarrier.arrive $0xFFFF  }
0x41: {  	s31 =	simm.s32 $0x2;
	[sflag:s2] =	ssyncpa.u1 $0x1  }
0x42: {  	[sflag:s31] =	ssyncpa.u1 $0x1  }
0x43: {  	p0 =	sne.s32 s0, $0x0;
	_ =	strace $0x9000004A  }
0x44: {  	s0 =	sadd.s32 @!p0 $0x100000, s1;
	[bflag:$0x2] =	sbarrier.arrive $0xFFFF  }
0x45: {  	[sflag:s0] =	ssyncadd.tile.s32 @!p0 $0x1;
	_ =	shalt  }
.Lfunc_end1:
_tile_overlayer_lowered:
.L_overlay_start_2:
0x46: {  	(tag) =	ssettag $0x2  }
0x47: {  	s0 =	rddreg [dreg:$0x0];
	s2 =	stileid.u32  }
0x48: {  	s1 =	rddreg [dreg:$0x1];
	p0 =	sne.s32 s2, $0x0  }
0x49: {  	s3 =	rddreg [dreg:$0x2];
	[bflag:$0x3] =	sbarrier.arrive $0xFFFF;
	s2 =	simm.s32 @!p0 $0x1C01  }
0x4a: {  	[timem:s3], [sflag:s2] =	dma.local @!p0 [hbm:s0], s1  }
0x4b: {  	s0 =	simm.s32 @!p0 $0x1  }
0x4c: {  	_ =	swait.ge @!p0 [sflag:s0], s1  }
0x4d: {  	s1 =	ssub.s32 @!p0 $0x0, s1;
	[sflag:s0] =	ssyncset.done @!p0 $0x0  }
0x4e: {  	[sflag:s0] =	ssyncadd.s32 @!p0 s1  }
0x4f: {  	[bflag:$0x3] =	sbarrier.arrive $0xFFFF  }
0x50: {  	_ =	shalt  }

</sc_bundles>
